<compile_context>
chip_gen: v7x
topology: tpu7x:2x2x1
jax: 0.10.2.dev20260603
libtpu: 0.0.44.dev20260713+nightly
codegen_flags: <defaults>
</compile_context>

<pallas_src>
import functools

import jax
import jax.numpy as jnp
from jax import lax
from jax.experimental import pallas as pl
from jax.experimental.pallas import tpu as pltpu
from jax.experimental.pallas import tpu_sc as plsc


def kernel(x, edge_index):
    n_nodes, d = x.shape
    b = edge_index.shape[1]
    src = edge_index[0].astype(jnp.int32)

    info = plsc.get_sparse_core_info()
    nc, ns = info.num_cores, info.num_subcores
    nw = nc * ns
    b_per_w = b // nw
    chunk = 40
    n_groups = b_per_w // chunk
    m = 8

    mesh = plsc.VectorSubcoreMesh(core_axis_name="c", subcore_axis_name="s")

    @functools.partial(
        pl.kernel,
        mesh=mesh,
        out_type=jax.ShapeDtypeStruct((b, d), x.dtype),
        scratch_types=[
            pltpu.VMEM((b_per_w,), jnp.int32),
            [pltpu.VMEM((chunk, d), jnp.float32) for _ in range(m)],
            pltpu.VMEM_SHARED((n_nodes, d), jnp.float32),
            pltpu.SemaphoreType.DMA,
            pltpu.SemaphoreType.DMA,
            [pltpu.SemaphoreType.DMA for _ in range(m)],
        ],
    )
    def gather_kernel(x_hbm, ei_hbm, out_hbm, idx_v, bufs, x_s, gsem, hsem,
                      wsems):
        sid = lax.axis_index("s")
        wid = sid * nc + lax.axis_index("c")
        base = wid * b_per_w

        rows_per_tile = (n_nodes // ns) // 8 * 8
        tail = n_nodes - ns * rows_per_tile
        pltpu.sync_copy(x_hbm.at[pl.ds(sid * rows_per_tile, rows_per_tile)],
                        x_s.at[pl.ds(sid * rows_per_tile, rows_per_tile)])

        @pl.when(sid == ns - 1)
        def _copy_tail():
            pltpu.sync_copy(x_hbm.at[pl.ds(ns * rows_per_tile, tail)],
                            x_s.at[pl.ds(ns * rows_per_tile, tail)])

        pltpu.sync_copy(ei_hbm.at[pl.ds(base, b_per_w)], idx_v)

        def fire_g(g, o, from_hbm=False):
            src_ref = x_hbm if from_hbm else x_s
            pltpu.async_copy(
                src_ref.at[idx_v.at[pl.ds(g * chunk, chunk)]], bufs[o],
                hsem if from_hbm else gsem)

        def wait_g(o, from_hbm=False):
            src_ref = x_hbm if from_hbm else x_s
            pltpu.make_async_copy(
                src_ref.at[idx_v.at[pl.ds(0, chunk)]], bufs[o],
                hsem if from_hbm else gsem).wait()

        def fire_w(g, o):
            pltpu.async_copy(
                bufs[o], out_hbm.at[pl.ds(base + g * chunk, chunk)], wsems[o])

        def wait_w(g, o):
            pltpu.make_async_copy(
                bufs[o], out_hbm.at[pl.ds(base + g * chunk, chunk)],
                wsems[o]).wait()

        def slot(h, o, first=False, prefetch=True):
            wait_g(o)
            fire_w(h, o)
            if not first:
                wait_w(h - 1, (o + m - 1) % m)
            if prefetch:
                fire_g(h + 3, (o + 3) % m)

        plsc.subcore_barrier()
        fire_g(0, 0)
        fire_g(1, 1)
        fire_g(2, 2)
        for h in range(m):
            slot(h, h, first=(h == 0))

        def body(t, carry):
            h = m * t
            for o in range(m):
                slot(h + o, o)
            return carry

        t_hi = (n_groups - 3) // m
        lax.fori_loop(1, t_hi, body, 0)

        for h in range(m * t_hi, n_groups):
            slot(h, h % m, prefetch=(h + 3 < n_groups))

        wait_w(n_groups - 1, (n_groups - 1) % m)

    return gather_kernel(x, src)

# --- scband reference (transcript-rebuilt; emitter-appended) ---
"""Pipeline reference for scband-simple-gather-model-1082331758788 (READ-ONLY COPY).

The authoritative reference and input builder live on the scoring server;
editing this copy changes nothing except your own understanding.
"""

import jax, jax.numpy as jnp
import numpy as np

def setup_inputs(seed: int = 0) -> dict:
    key = jax.random.key(seed)
    k1, k2 = jax.random.split(key)
    x = jax.random.normal(k1, (10000, 128), dtype=jnp.float32)
    edge_index = jax.random.randint(k2, (2, 320000), 0, 10000, dtype=jnp.int64)
    return {"x": x, "edge_index": edge_index}

def reference(x, edge_index):
    # x_j = x[edge_index[0]] -- pure gather of source-node features per edge
    x_j = jnp.take(x, edge_index[0], axis=0)
    return x_j

if __name__ == "__main__":
    import jax
    _d = setup_inputs()
    print(jax.jit(kernel)(*tuple(_d.values())))

</pallas_src>

<mosaic_0001>
#map = affine_map<(d0, d1) -> (0, 0)>
#map1 = affine_map<(d0, d1) -> (0)>
module attributes {stable_mosaic.version = 14 : i64} {
  func.func @gather_kernel(%arg0: i32, %arg1: i32, %arg2: memref<10000x128xf32, #tpu.memory_space<hbm>>, %arg3: memref<320000xi32, #tpu.memory_space<hbm>>, %arg4: memref<320000x128xf32, #tpu.memory_space<hbm>>, %arg5: memref<10000xi32, #tpu.memory_space<vmem>>, %arg6: memref<40x128xf32, #tpu.memory_space<vmem>>, %arg7: memref<40x128xf32, #tpu.memory_space<vmem>>, %arg8: memref<40x128xf32, #tpu.memory_space<vmem>>, %arg9: memref<40x128xf32, #tpu.memory_space<vmem>>, %arg10: memref<40x128xf32, #tpu.memory_space<vmem>>, %arg11: memref<40x128xf32, #tpu.memory_space<vmem>>, %arg12: memref<40x128xf32, #tpu.memory_space<vmem>>, %arg13: memref<40x128xf32, #tpu.memory_space<vmem>>, %arg14: memref<10000x128xf32, #tpu.memory_space<vmem_shared>>, %arg15: memref<!tpu.dma_semaphore, #tpu.memory_space<semaphore_mem>>, %arg16: memref<!tpu.dma_semaphore, #tpu.memory_space<semaphore_mem>>, %arg17: memref<!tpu.dma_semaphore, #tpu.memory_space<semaphore_mem>>, %arg18: memref<!tpu.dma_semaphore, #tpu.memory_space<semaphore_mem>>, %arg19: memref<!tpu.dma_semaphore, #tpu.memory_space<semaphore_mem>>, %arg20: memref<!tpu.dma_semaphore, #tpu.memory_space<semaphore_mem>>, %arg21: memref<!tpu.dma_semaphore, #tpu.memory_space<semaphore_mem>>, %arg22: memref<!tpu.dma_semaphore, #tpu.memory_space<semaphore_mem>>, %arg23: memref<!tpu.dma_semaphore, #tpu.memory_space<semaphore_mem>>, %arg24: memref<!tpu.dma_semaphore, #tpu.memory_space<semaphore_mem>>) attributes {dimension_semantics = [#tpu.dimension_semantics<core_parallel>, #tpu.dimension_semantics<subcore_parallel>], iteration_bounds = array<i64: 2, 16>, scalar_prefetch = 0 : i64, scratch_operands = 20 : i64, tpu.core_type = #tpu.core_type<sc_vector_subcore>, window_params = [{transform_indices = #map}, {transform_indices = #map1}, {transform_indices = #map}]} {
    %mul3A = arith.constant 2 : i32
    %mul3A_0 = arith.muli %arg1, %mul3A : i32
    %add3A = arith.addi %mul3A_0, %arg0 : i32
    %mul3A_1 = arith.constant 10000 : i32
    %mul3A_2 = arith.muli %add3A, %mul3A_1 : i32
    %mul3A_3 = arith.constant 624 : i32
    %mul3A_4 = arith.muli %arg1, %mul3A_3 : i32
    %mul3A_5 = arith.constant 624 : i32
    %mul3A_6 = arith.muli %arg1, %mul3A_5 : i32
    "tpu.region"() ({
      %run_scoped3A = tpu.sem_alloc : memref<!tpu.dma_semaphore, #tpu.memory_space<semaphore_mem>>
      %dma_start3A_408 = arith.constant 0 : i32
      %dma_start3A_409 = tpu.memref_slice %arg14[%mul3A_6, %dma_start3A_408] : memref<10000x128xf32, #tpu.memory_space<vmem_shared>> -> memref<624x128xf32, #tpu.memory_space<vmem_shared>>
      %dma_start3A_410 = arith.constant 0 : i32
      %dma_start3A_411 = tpu.memref_slice %arg2[%mul3A_4, %dma_start3A_410] : memref<10000x128xf32, #tpu.memory_space<hbm>> -> memref<624x128xf32, #tpu.memory_space<hbm>>
      tpu.enqueue_dma source(%dma_start3A_411 : memref<624x128xf32, #tpu.memory_space<hbm>>) target(%dma_start3A_409 : memref<624x128xf32, #tpu.memory_space<vmem_shared>>) target_semaphore(%run_scoped3A : memref<!tpu.dma_semaphore, #tpu.memory_space<semaphore_mem>>)
      %dma_wait3A_412 = arith.constant 0 : i32
      %dma_wait3A_413 = tpu.memref_slice %arg14[%mul3A_6, %dma_wait3A_412] : memref<10000x128xf32, #tpu.memory_space<vmem_shared>> -> memref<624x128xf32, #tpu.memory_space<vmem_shared>>
      %dma_wait3A_414 = arith.constant 0 : i32
      %dma_wait3A_415 = tpu.memref_slice %arg2[%mul3A_4, %dma_wait3A_414] : memref<10000x128xf32, #tpu.memory_space<hbm>> -> memref<624x128xf32, #tpu.memory_space<hbm>>
      tpu.wait_dma2 semaphore(%run_scoped3A : memref<!tpu.dma_semaphore, #tpu.memory_space<semaphore_mem>>) src(%dma_wait3A_415 : memref<624x128xf32, #tpu.memory_space<hbm>>) dst(%dma_wait3A_413 : memref<624x128xf32, #tpu.memory_space<vmem_shared>>)
      tpu.yield
    }) : () -> ()
    %eq3A = arith.constant 15 : i32
    %eq3A_7 = arith.cmpi eq, %arg1, %eq3A : i32
    %convert_element_type3A = arith.extui %eq3A_7 : i1 to i32
    %cond3A = arith.constant 0 : i32
    %cond3A_8 = arith.cmpi ne, %convert_element_type3A, %cond3A : i32
    scf.if %cond3A_8 {
      "tpu.region"() ({
        %run_scoped3A = tpu.sem_alloc : memref<!tpu.dma_semaphore, #tpu.memory_space<semaphore_mem>>
        %dma_start3A_408 = arith.constant 9984 : i32
        %dma_start3A_409 = arith.constant 0 : i32
        %dma_start3A_410 = tpu.memref_slice %arg14[%dma_start3A_408, %dma_start3A_409] : memref<10000x128xf32, #tpu.memory_space<vmem_shared>> -> memref<16x128xf32, #tpu.memory_space<vmem_shared>>
        %dma_start3A_411 = arith.constant 9984 : i32
        %dma_start3A_412 = arith.constant 0 : i32
        %dma_start3A_413 = tpu.memref_slice %arg2[%dma_start3A_411, %dma_start3A_412] : memref<10000x128xf32, #tpu.memory_space<hbm>> -> memref<16x128xf32, #tpu.memory_space<hbm>>
        tpu.enqueue_dma source(%dma_start3A_413 : memref<16x128xf32, #tpu.memory_space<hbm>>) target(%dma_start3A_410 : memref<16x128xf32, #tpu.memory_space<vmem_shared>>) target_semaphore(%run_scoped3A : memref<!tpu.dma_semaphore, #tpu.memory_space<semaphore_mem>>)
        %dma_wait3A_414 = arith.constant 9984 : i32
        %dma_wait3A_415 = arith.constant 0 : i32
        %dma_wait3A_416 = tpu.memref_slice %arg14[%dma_wait3A_414, %dma_wait3A_415] : memref<10000x128xf32, #tpu.memory_space<vmem_shared>> -> memref<16x128xf32, #tpu.memory_space<vmem_shared>>
        %dma_wait3A_417 = arith.constant 9984 : i32
        %dma_wait3A_418 = arith.constant 0 : i32
        %dma_wait3A_419 = tpu.memref_slice %arg2[%dma_wait3A_417, %dma_wait3A_418] : memref<10000x128xf32, #tpu.memory_space<hbm>> -> memref<16x128xf32, #tpu.memory_space<hbm>>
        tpu.wait_dma2 semaphore(%run_scoped3A : memref<!tpu.dma_semaphore, #tpu.memory_space<semaphore_mem>>) src(%dma_wait3A_419 : memref<16x128xf32, #tpu.memory_space<hbm>>) dst(%dma_wait3A_416 : memref<16x128xf32, #tpu.memory_space<vmem_shared>>)
        tpu.yield
      }) : () -> ()
    } else {
    }
    "tpu.region"() ({
      %run_scoped3A = tpu.sem_alloc : memref<!tpu.dma_semaphore, #tpu.memory_space<semaphore_mem>>
      %dma_start3A_408 = tpu.memref_slice %arg3[%mul3A_2] : memref<320000xi32, #tpu.memory_space<hbm>> -> memref<10000xi32, #tpu.memory_space<hbm>>
      %dma_start3A_409 = tpu.memref_slice %arg3[%mul3A_2] : memref<320000xi32, #tpu.memory_space<hbm>> -> memref<10000xi32, #tpu.memory_space<hbm>>
      tpu.enqueue_dma source(%dma_start3A_409 : memref<10000xi32, #tpu.memory_space<hbm>>) target(%arg5 : memref<10000xi32, #tpu.memory_space<vmem>>) target_semaphore(%run_scoped3A : memref<!tpu.dma_semaphore, #tpu.memory_space<semaphore_mem>>)
      %dma_wait3A_410 = tpu.memref_slice %arg3[%mul3A_2] : memref<320000xi32, #tpu.memory_space<hbm>> -> memref<10000xi32, #tpu.memory_space<hbm>>
      %dma_wait3A_411 = tpu.memref_slice %arg3[%mul3A_2] : memref<320000xi32, #tpu.memory_space<hbm>> -> memref<10000xi32, #tpu.memory_space<hbm>>
      tpu.wait_dma2 semaphore(%run_scoped3A : memref<!tpu.dma_semaphore, #tpu.memory_space<semaphore_mem>>) src(%dma_wait3A_411 : memref<10000xi32, #tpu.memory_space<hbm>>) dst(%arg5 : memref<10000xi32, #tpu.memory_space<vmem>>)
      tpu.yield
    }) : () -> ()
    %barrier3A = arith.constant 0 : index
    tpu.barrier barrier_id(%barrier3A)
    %dma_start3A = arith.constant 0 : i32
    %dma_start3A_9 = tpu.memref_slice %arg5[%dma_start3A] : memref<10000xi32, #tpu.memory_space<vmem>> -> memref<40xi32, #tpu.memory_space<vmem>>
    %dma_start3A_10 = arith.constant 0 : i32
    %dma_start3A_11 = arith.constant 0 : i32
    %dma_start3A_12 = tpu.memref_slice %arg14[%dma_start3A_10, %dma_start3A_11] : memref<10000x128xf32, #tpu.memory_space<vmem_shared>> -> memref<10000x128xf32, #tpu.memory_space<vmem_shared>>
    tpu.enqueue_indirect_dma source(%dma_start3A_12 : memref<10000x128xf32, #tpu.memory_space<vmem_shared>>) target(%arg6 : memref<40x128xf32, #tpu.memory_space<vmem>>) offsets(%dma_start3A_9 : memref<40xi32, #tpu.memory_space<vmem>>) semaphore(%arg15 : memref<!tpu.dma_semaphore, #tpu.memory_space<semaphore_mem>>)
    %dma_start3A_13 = arith.constant 40 : i32
    %dma_start3A_14 = tpu.memref_slice %arg5[%dma_start3A_13] : memref<10000xi32, #tpu.memory_space<vmem>> -> memref<40xi32, #tpu.memory_space<vmem>>
    %dma_start3A_15 = arith.constant 0 : i32
    %dma_start3A_16 = arith.constant 0 : i32
    %dma_start3A_17 = tpu.memref_slice %arg14[%dma_start3A_15, %dma_start3A_16] : memref<10000x128xf32, #tpu.memory_space<vmem_shared>> -> memref<10000x128xf32, #tpu.memory_space<vmem_shared>>
    tpu.enqueue_indirect_dma source(%dma_start3A_17 : memref<10000x128xf32, #tpu.memory_space<vmem_shared>>) target(%arg7 : memref<40x128xf32, #tpu.memory_space<vmem>>) offsets(%dma_start3A_14 : memref<40xi32, #tpu.memory_space<vmem>>) semaphore(%arg15 : memref<!tpu.dma_semaphore, #tpu.memory_space<semaphore_mem>>)
    %dma_start3A_18 = arith.constant 80 : i32
    %dma_start3A_19 = tpu.memref_slice %arg5[%dma_start3A_18] : memref<10000xi32, #tpu.memory_space<vmem>> -> memref<40xi32, #tpu.memory_space<vmem>>
    %dma_start3A_20 = arith.constant 0 : i32
    %dma_start3A_21 = arith.constant 0 : i32
    %dma_start3A_22 = tpu.memref_slice %arg14[%dma_start3A_20, %dma_start3A_21] : memref<10000x128xf32, #tpu.memory_space<vmem_shared>> -> memref<10000x128xf32, #tpu.memory_space<vmem_shared>>
    tpu.enqueue_indirect_dma source(%dma_start3A_22 : memref<10000x128xf32, #tpu.memory_space<vmem_shared>>) target(%arg8 : memref<40x128xf32, #tpu.memory_space<vmem>>) offsets(%dma_start3A_19 : memref<40xi32, #tpu.memory_space<vmem>>) semaphore(%arg15 : memref<!tpu.dma_semaphore, #tpu.memory_space<semaphore_mem>>)
    %dma_wait3A = arith.constant 0 : i32
    %dma_wait3A_23 = tpu.memref_slice %arg5[%dma_wait3A] : memref<10000xi32, #tpu.memory_space<vmem>> -> memref<40xi32, #tpu.memory_space<vmem>>
    %dma_wait3A_24 = arith.constant 0 : i32
    %dma_wait3A_25 = arith.constant 0 : i32
    %dma_wait3A_26 = tpu.memref_slice %arg14[%dma_wait3A_24, %dma_wait3A_25] : memref<10000x128xf32, #tpu.memory_space<vmem_shared>> -> memref<10000x128xf32, #tpu.memory_space<vmem_shared>>
    tpu.wait_indirect_dma semaphore(%arg15 : memref<!tpu.dma_semaphore, #tpu.memory_space<semaphore_mem>>) src(%dma_wait3A_26 : memref<10000x128xf32, #tpu.memory_space<vmem_shared>>) dst(%arg6 : memref<40x128xf32, #tpu.memory_space<vmem>>)
    %add3A_27 = arith.constant 0 : i32
    %add3A_28 = arith.addi %mul3A_2, %add3A_27 : i32
    %dma_start3A_29 = arith.constant 0 : i32
    %dma_start3A_30 = tpu.memref_slice %arg4[%add3A_28, %dma_start3A_29] : memref<320000x128xf32, #tpu.memory_space<hbm>> -> memref<40x128xf32, #tpu.memory_space<hbm>>
    %dma_start3A_31 = arith.constant 0 : i32
    %dma_start3A_32 = tpu.memref_slice %arg4[%add3A_28, %dma_start3A_31] : memref<320000x128xf32, #tpu.memory_space<hbm>> -> memref<40x128xf32, #tpu.memory_space<hbm>>
    tpu.enqueue_dma source(%arg6 : memref<40x128xf32, #tpu.memory_space<vmem>>) target(%dma_start3A_32 : memref<40x128xf32, #tpu.memory_space<hbm>>) target_semaphore(%arg17 : memref<!tpu.dma_semaphore, #tpu.memory_space<semaphore_mem>>)
    %dma_start3A_33 = arith.constant 120 : i32
    %dma_start3A_34 = tpu.memref_slice %arg5[%dma_start3A_33] : memref<10000xi32, #tpu.memory_space<vmem>> -> memref<40xi32, #tpu.memory_space<vmem>>
    %dma_start3A_35 = arith.constant 0 : i32
    %dma_start3A_36 = arith.constant 0 : i32
    %dma_start3A_37 = tpu.memref_slice %arg14[%dma_start3A_35, %dma_start3A_36] : memref<10000x128xf32, #tpu.memory_space<vmem_shared>> -> memref<10000x128xf32, #tpu.memory_space<vmem_shared>>
    tpu.enqueue_indirect_dma source(%dma_start3A_37 : memref<10000x128xf32, #tpu.memory_space<vmem_shared>>) target(%arg9 : memref<40x128xf32, #tpu.memory_space<vmem>>) offsets(%dma_start3A_34 : memref<40xi32, #tpu.memory_space<vmem>>) semaphore(%arg15 : memref<!tpu.dma_semaphore, #tpu.memory_space<semaphore_mem>>)
    %dma_wait3A_38 = arith.constant 0 : i32
    %dma_wait3A_39 = tpu.memref_slice %arg5[%dma_wait3A_38] : memref<10000xi32, #tpu.memory_space<vmem>> -> memref<40xi32, #tpu.memory_space<vmem>>
    %dma_wait3A_40 = arith.constant 0 : i32
    %dma_wait3A_41 = arith.constant 0 : i32
    %dma_wait3A_42 = tpu.memref_slice %arg14[%dma_wait3A_40, %dma_wait3A_41] : memref<10000x128xf32, #tpu.memory_space<vmem_shared>> -> memref<10000x128xf32, #tpu.memory_space<vmem_shared>>
    tpu.wait_indirect_dma semaphore(%arg15 : memref<!tpu.dma_semaphore, #tpu.memory_space<semaphore_mem>>) src(%dma_wait3A_42 : memref<10000x128xf32, #tpu.memory_space<vmem_shared>>) dst(%arg7 : memref<40x128xf32, #tpu.memory_space<vmem>>)
    %add3A_43 = arith.constant 40 : i32
    %add3A_44 = arith.addi %mul3A_2, %add3A_43 : i32
    %dma_start3A_45 = arith.constant 0 : i32
    %dma_start3A_46 = tpu.memref_slice %arg4[%add3A_44, %dma_start3A_45] : memref<320000x128xf32, #tpu.memory_space<hbm>> -> memref<40x128xf32, #tpu.memory_space<hbm>>
    %dma_start3A_47 = arith.constant 0 : i32
    %dma_start3A_48 = tpu.memref_slice %arg4[%add3A_44, %dma_start3A_47] : memref<320000x128xf32, #tpu.memory_space<hbm>> -> memref<40x128xf32, #tpu.memory_space<hbm>>
    tpu.enqueue_dma source(%arg7 : memref<40x128xf32, #tpu.memory_space<vmem>>) target(%dma_start3A_48 : memref<40x128xf32, #tpu.memory_space<hbm>>) target_semaphore(%arg18 : memref<!tpu.dma_semaphore, #tpu.memory_space<semaphore_mem>>)
    %add3A_49 = arith.constant 0 : i32
    %add3A_50 = arith.addi %mul3A_2, %add3A_49 : i32
    %dma_wait3A_51 = arith.constant 0 : i32
    %dma_wait3A_52 = tpu.memref_slice %arg4[%add3A_50, %dma_wait3A_51] : memref<320000x128xf32, #tpu.memory_space<hbm>> -> memref<40x128xf32, #tpu.memory_space<hbm>>
    %dma_wait3A_53 = arith.constant 0 : i32
    %dma_wait3A_54 = tpu.memref_slice %arg4[%add3A_50, %dma_wait3A_53] : memref<320000x128xf32, #tpu.memory_space<hbm>> -> memref<40x128xf32, #tpu.memory_space<hbm>>
    tpu.wait_dma2 semaphore(%arg17 : memref<!tpu.dma_semaphore, #tpu.memory_space<semaphore_mem>>) src(%arg6 : memref<40x128xf32, #tpu.memory_space<vmem>>) dst(%dma_wait3A_54 : memref<40x128xf32, #tpu.memory_space<hbm>>)
    %dma_start3A_55 = arith.constant 160 : i32
    %dma_start3A_56 = tpu.memref_slice %arg5[%dma_start3A_55] : memref<10000xi32, #tpu.memory_space<vmem>> -> memref<40xi32, #tpu.memory_space<vmem>>
    %dma_start3A_57 = arith.constant 0 : i32
    %dma_start3A_58 = arith.constant 0 : i32
    %dma_start3A_59 = tpu.memref_slice %arg14[%dma_start3A_57, %dma_start3A_58] : memref<10000x128xf32, #tpu.memory_space<vmem_shared>> -> memref<10000x128xf32, #tpu.memory_space<vmem_shared>>
    tpu.enqueue_indirect_dma source(%dma_start3A_59 : memref<10000x128xf32, #tpu.memory_space<vmem_shared>>) target(%arg10 : memref<40x128xf32, #tpu.memory_space<vmem>>) offsets(%dma_start3A_56 : memref<40xi32, #tpu.memory_space<vmem>>) semaphore(%arg15 : memref<!tpu.dma_semaphore, #tpu.memory_space<semaphore_mem>>)
    %dma_wait3A_60 = arith.constant 0 : i32
    %dma_wait3A_61 = tpu.memref_slice %arg5[%dma_wait3A_60] : memref<10000xi32, #tpu.memory_space<vmem>> -> memref<40xi32, #tpu.memory_space<vmem>>
    %dma_wait3A_62 = arith.constant 0 : i32
    %dma_wait3A_63 = arith.constant 0 : i32
    %dma_wait3A_64 = tpu.memref_slice %arg14[%dma_wait3A_62, %dma_wait3A_63] : memref<10000x128xf32, #tpu.memory_space<vmem_shared>> -> memref<10000x128xf32, #tpu.memory_space<vmem_shared>>
    tpu.wait_indirect_dma semaphore(%arg15 : memref<!tpu.dma_semaphore, #tpu.memory_space<semaphore_mem>>) src(%dma_wait3A_64 : memref<10000x128xf32, #tpu.memory_space<vmem_shared>>) dst(%arg8 : memref<40x128xf32, #tpu.memory_space<vmem>>)
    %add3A_65 = arith.constant 80 : i32
    %add3A_66 = arith.addi %mul3A_2, %add3A_65 : i32
    %dma_start3A_67 = arith.constant 0 : i32
    %dma_start3A_68 = tpu.memref_slice %arg4[%add3A_66, %dma_start3A_67] : memref<320000x128xf32, #tpu.memory_space<hbm>> -> memref<40x128xf32, #tpu.memory_space<hbm>>
    %dma_start3A_69 = arith.constant 0 : i32
    %dma_start3A_70 = tpu.memref_slice %arg4[%add3A_66, %dma_start3A_69] : memref<320000x128xf32, #tpu.memory_space<hbm>> -> memref<40x128xf32, #tpu.memory_space<hbm>>
    tpu.enqueue_dma source(%arg8 : memref<40x128xf32, #tpu.memory_space<vmem>>) target(%dma_start3A_70 : memref<40x128xf32, #tpu.memory_space<hbm>>) target_semaphore(%arg19 : memref<!tpu.dma_semaphore, #tpu.memory_space<semaphore_mem>>)
    %add3A_71 = arith.constant 40 : i32
    %add3A_72 = arith.addi %mul3A_2, %add3A_71 : i32
    %dma_wait3A_73 = arith.constant 0 : i32
    %dma_wait3A_74 = tpu.memref_slice %arg4[%add3A_72, %dma_wait3A_73] : memref<320000x128xf32, #tpu.memory_space<hbm>> -> memref<40x128xf32, #tpu.memory_space<hbm>>
    %dma_wait3A_75 = arith.constant 0 : i32
    %dma_wait3A_76 = tpu.memref_slice %arg4[%add3A_72, %dma_wait3A_75] : memref<320000x128xf32, #tpu.memory_space<hbm>> -> memref<40x128xf32, #tpu.memory_space<hbm>>
    tpu.wait_dma2 semaphore(%arg18 : memref<!tpu.dma_semaphore, #tpu.memory_space<semaphore_mem>>) src(%arg7 : memref<40x128xf32, #tpu.memory_space<vmem>>) dst(%dma_wait3A_76 : memref<40x128xf32, #tpu.memory_space<hbm>>)
    %dma_start3A_77 = arith.constant 200 : i32
    %dma_start3A_78 = tpu.memref_slice %arg5[%dma_start3A_77] : memref<10000xi32, #tpu.memory_space<vmem>> -> memref<40xi32, #tpu.memory_space<vmem>>
    %dma_start3A_79 = arith.constant 0 : i32
    %dma_start3A_80 = arith.constant 0 : i32
    %dma_start3A_81 = tpu.memref_slice %arg14[%dma_start3A_79, %dma_start3A_80] : memref<10000x128xf32, #tpu.memory_space<vmem_shared>> -> memref<10000x128xf32, #tpu.memory_space<vmem_shared>>
    tpu.enqueue_indirect_dma source(%dma_start3A_81 : memref<10000x128xf32, #tpu.memory_space<vmem_shared>>) target(%arg11 : memref<40x128xf32, #tpu.memory_space<vmem>>) offsets(%dma_start3A_78 : memref<40xi32, #tpu.memory_space<vmem>>) semaphore(%arg15 : memref<!tpu.dma_semaphore, #tpu.memory_space<semaphore_mem>>)
    %dma_wait3A_82 = arith.constant 0 : i32
    %dma_wait3A_83 = tpu.memref_slice %arg5[%dma_wait3A_82] : memref<10000xi32, #tpu.memory_space<vmem>> -> memref<40xi32, #tpu.memory_space<vmem>>
    %dma_wait3A_84 = arith.constant 0 : i32
    %dma_wait3A_85 = arith.constant 0 : i32
    %dma_wait3A_86 = tpu.memref_slice %arg14[%dma_wait3A_84, %dma_wait3A_85] : memref<10000x128xf32, #tpu.memory_space<vmem_shared>> -> memref<10000x128xf32, #tpu.memory_space<vmem_shared>>
    tpu.wait_indirect_dma semaphore(%arg15 : memref<!tpu.dma_semaphore, #tpu.memory_space<semaphore_mem>>) src(%dma_wait3A_86 : memref<10000x128xf32, #tpu.memory_space<vmem_shared>>) dst(%arg9 : memref<40x128xf32, #tpu.memory_space<vmem>>)
    %add3A_87 = arith.constant 120 : i32
    %add3A_88 = arith.addi %mul3A_2, %add3A_87 : i32
    %dma_start3A_89 = arith.constant 0 : i32
    %dma_start3A_90 = tpu.memref_slice %arg4[%add3A_88, %dma_start3A_89] : memref<320000x128xf32, #tpu.memory_space<hbm>> -> memref<40x128xf32, #tpu.memory_space<hbm>>
    %dma_start3A_91 = arith.constant 0 : i32
    %dma_start3A_92 = tpu.memref_slice %arg4[%add3A_88, %dma_start3A_91] : memref<320000x128xf32, #tpu.memory_space<hbm>> -> memref<40x128xf32, #tpu.memory_space<hbm>>
    tpu.enqueue_dma source(%arg9 : memref<40x128xf32, #tpu.memory_space<vmem>>) target(%dma_start3A_92 : memref<40x128xf32, #tpu.memory_space<hbm>>) target_semaphore(%arg20 : memref<!tpu.dma_semaphore, #tpu.memory_space<semaphore_mem>>)
    %add3A_93 = arith.constant 80 : i32
    %add3A_94 = arith.addi %mul3A_2, %add3A_93 : i32
    %dma_wait3A_95 = arith.constant 0 : i32
    %dma_wait3A_96 = tpu.memref_slice %arg4[%add3A_94, %dma_wait3A_95] : memref<320000x128xf32, #tpu.memory_space<hbm>> -> memref<40x128xf32, #tpu.memory_space<hbm>>
    %dma_wait3A_97 = arith.constant 0 : i32
    %dma_wait3A_98 = tpu.memref_slice %arg4[%add3A_94, %dma_wait3A_97] : memref<320000x128xf32, #tpu.memory_space<hbm>> -> memref<40x128xf32, #tpu.memory_space<hbm>>
    tpu.wait_dma2 semaphore(%arg19 : memref<!tpu.dma_semaphore, #tpu.memory_space<semaphore_mem>>) src(%arg8 : memref<40x128xf32, #tpu.memory_space<vmem>>) dst(%dma_wait3A_98 : memref<40x128xf32, #tpu.memory_space<hbm>>)
    %dma_start3A_99 = arith.constant 240 : i32
    %dma_start3A_100 = tpu.memref_slice %arg5[%dma_start3A_99] : memref<10000xi32, #tpu.memory_space<vmem>> -> memref<40xi32, #tpu.memory_space<vmem>>
    %dma_start3A_101 = arith.constant 0 : i32
    %dma_start3A_102 = arith.constant 0 : i32
    %dma_start3A_103 = tpu.memref_slice %arg14[%dma_start3A_101, %dma_start3A_102] : memref<10000x128xf32, #tpu.memory_space<vmem_shared>> -> memref<10000x128xf32, #tpu.memory_space<vmem_shared>>
    tpu.enqueue_indirect_dma source(%dma_start3A_103 : memref<10000x128xf32, #tpu.memory_space<vmem_shared>>) target(%arg12 : memref<40x128xf32, #tpu.memory_space<vmem>>) offsets(%dma_start3A_100 : memref<40xi32, #tpu.memory_space<vmem>>) semaphore(%arg15 : memref<!tpu.dma_semaphore, #tpu.memory_space<semaphore_mem>>)
    %dma_wait3A_104 = arith.constant 0 : i32
    %dma_wait3A_105 = tpu.memref_slice %arg5[%dma_wait3A_104] : memref<10000xi32, #tpu.memory_space<vmem>> -> memref<40xi32, #tpu.memory_space<vmem>>
    %dma_wait3A_106 = arith.constant 0 : i32
    %dma_wait3A_107 = arith.constant 0 : i32
    %dma_wait3A_108 = tpu.memref_slice %arg14[%dma_wait3A_106, %dma_wait3A_107] : memref<10000x128xf32, #tpu.memory_space<vmem_shared>> -> memref<10000x128xf32, #tpu.memory_space<vmem_shared>>
    tpu.wait_indirect_dma semaphore(%arg15 : memref<!tpu.dma_semaphore, #tpu.memory_space<semaphore_mem>>) src(%dma_wait3A_108 : memref<10000x128xf32, #tpu.memory_space<vmem_shared>>) dst(%arg10 : memref<40x128xf32, #tpu.memory_space<vmem>>)
    %add3A_109 = arith.constant 160 : i32
    %add3A_110 = arith.addi %mul3A_2, %add3A_109 : i32
    %dma_start3A_111 = arith.constant 0 : i32
    %dma_start3A_112 = tpu.memref_slice %arg4[%add3A_110, %dma_start3A_111] : memref<320000x128xf32, #tpu.memory_space<hbm>> -> memref<40x128xf32, #tpu.memory_space<hbm>>
    %dma_start3A_113 = arith.constant 0 : i32
    %dma_start3A_114 = tpu.memref_slice %arg4[%add3A_110, %dma_start3A_113] : memref<320000x128xf32, #tpu.memory_space<hbm>> -> memref<40x128xf32, #tpu.memory_space<hbm>>
    tpu.enqueue_dma source(%arg10 : memref<40x128xf32, #tpu.memory_space<vmem>>) target(%dma_start3A_114 : memref<40x128xf32, #tpu.memory_space<hbm>>) target_semaphore(%arg21 : memref<!tpu.dma_semaphore, #tpu.memory_space<semaphore_mem>>)
    %add3A_115 = arith.constant 120 : i32
    %add3A_116 = arith.addi %mul3A_2, %add3A_115 : i32
    %dma_wait3A_117 = arith.constant 0 : i32
    %dma_wait3A_118 = tpu.memref_slice %arg4[%add3A_116, %dma_wait3A_117] : memref<320000x128xf32, #tpu.memory_space<hbm>> -> memref<40x128xf32, #tpu.memory_space<hbm>>
    %dma_wait3A_119 = arith.constant 0 : i32
    %dma_wait3A_120 = tpu.memref_slice %arg4[%add3A_116, %dma_wait3A_119] : memref<320000x128xf32, #tpu.memory_space<hbm>> -> memref<40x128xf32, #tpu.memory_space<hbm>>
    tpu.wait_dma2 semaphore(%arg20 : memref<!tpu.dma_semaphore, #tpu.memory_space<semaphore_mem>>) src(%arg9 : memref<40x128xf32, #tpu.memory_space<vmem>>) dst(%dma_wait3A_120 : memref<40x128xf32, #tpu.memory_space<hbm>>)
    %dma_start3A_121 = arith.constant 280 : i32
    %dma_start3A_122 = tpu.memref_slice %arg5[%dma_start3A_121] : memref<10000xi32, #tpu.memory_space<vmem>> -> memref<40xi32, #tpu.memory_space<vmem>>
    %dma_start3A_123 = arith.constant 0 : i32
    %dma_start3A_124 = arith.constant 0 : i32
    %dma_start3A_125 = tpu.memref_slice %arg14[%dma_start3A_123, %dma_start3A_124] : memref<10000x128xf32, #tpu.memory_space<vmem_shared>> -> memref<10000x128xf32, #tpu.memory_space<vmem_shared>>
    tpu.enqueue_indirect_dma source(%dma_start3A_125 : memref<10000x128xf32, #tpu.memory_space<vmem_shared>>) target(%arg13 : memref<40x128xf32, #tpu.memory_space<vmem>>) offsets(%dma_start3A_122 : memref<40xi32, #tpu.memory_space<vmem>>) semaphore(%arg15 : memref<!tpu.dma_semaphore, #tpu.memory_space<semaphore_mem>>)
    %dma_wait3A_126 = arith.constant 0 : i32
    %dma_wait3A_127 = tpu.memref_slice %arg5[%dma_wait3A_126] : memref<10000xi32, #tpu.memory_space<vmem>> -> memref<40xi32, #tpu.memory_space<vmem>>
    %dma_wait3A_128 = arith.constant 0 : i32
    %dma_wait3A_129 = arith.constant 0 : i32
    %dma_wait3A_130 = tpu.memref_slice %arg14[%dma_wait3A_128, %dma_wait3A_129] : memref<10000x128xf32, #tpu.memory_space<vmem_shared>> -> memref<10000x128xf32, #tpu.memory_space<vmem_shared>>
    tpu.wait_indirect_dma semaphore(%arg15 : memref<!tpu.dma_semaphore, #tpu.memory_space<semaphore_mem>>) src(%dma_wait3A_130 : memref<10000x128xf32, #tpu.memory_space<vmem_shared>>) dst(%arg11 : memref<40x128xf32, #tpu.memory_space<vmem>>)
    %add3A_131 = arith.constant 200 : i32
    %add3A_132 = arith.addi %mul3A_2, %add3A_131 : i32
    %dma_start3A_133 = arith.constant 0 : i32
    %dma_start3A_134 = tpu.memref_slice %arg4[%add3A_132, %dma_start3A_133] : memref<320000x128xf32, #tpu.memory_space<hbm>> -> memref<40x128xf32, #tpu.memory_space<hbm>>
    %dma_start3A_135 = arith.constant 0 : i32
    %dma_start3A_136 = tpu.memref_slice %arg4[%add3A_132, %dma_start3A_135] : memref<320000x128xf32, #tpu.memory_space<hbm>> -> memref<40x128xf32, #tpu.memory_space<hbm>>
    tpu.enqueue_dma source(%arg11 : memref<40x128xf32, #tpu.memory_space<vmem>>) target(%dma_start3A_136 : memref<40x128xf32, #tpu.memory_space<hbm>>) target_semaphore(%arg22 : memref<!tpu.dma_semaphore, #tpu.memory_space<semaphore_mem>>)
    %add3A_137 = arith.constant 160 : i32
    %add3A_138 = arith.addi %mul3A_2, %add3A_137 : i32
    %dma_wait3A_139 = arith.constant 0 : i32
    %dma_wait3A_140 = tpu.memref_slice %arg4[%add3A_138, %dma_wait3A_139] : memref<320000x128xf32, #tpu.memory_space<hbm>> -> memref<40x128xf32, #tpu.memory_space<hbm>>
    %dma_wait3A_141 = arith.constant 0 : i32
    %dma_wait3A_142 = tpu.memref_slice %arg4[%add3A_138, %dma_wait3A_141] : memref<320000x128xf32, #tpu.memory_space<hbm>> -> memref<40x128xf32, #tpu.memory_space<hbm>>
    tpu.wait_dma2 semaphore(%arg21 : memref<!tpu.dma_semaphore, #tpu.memory_space<semaphore_mem>>) src(%arg10 : memref<40x128xf32, #tpu.memory_space<vmem>>) dst(%dma_wait3A_142 : memref<40x128xf32, #tpu.memory_space<hbm>>)
    %dma_start3A_143 = arith.constant 320 : i32
    %dma_start3A_144 = tpu.memref_slice %arg5[%dma_start3A_143] : memref<10000xi32, #tpu.memory_space<vmem>> -> memref<40xi32, #tpu.memory_space<vmem>>
    %dma_start3A_145 = arith.constant 0 : i32
    %dma_start3A_146 = arith.constant 0 : i32
    %dma_start3A_147 = tpu.memref_slice %arg14[%dma_start3A_145, %dma_start3A_146] : memref<10000x128xf32, #tpu.memory_space<vmem_shared>> -> memref<10000x128xf32, #tpu.memory_space<vmem_shared>>
    tpu.enqueue_indirect_dma source(%dma_start3A_147 : memref<10000x128xf32, #tpu.memory_space<vmem_shared>>) target(%arg6 : memref<40x128xf32, #tpu.memory_space<vmem>>) offsets(%dma_start3A_144 : memref<40xi32, #tpu.memory_space<vmem>>) semaphore(%arg15 : memref<!tpu.dma_semaphore, #tpu.memory_space<semaphore_mem>>)
    %dma_wait3A_148 = arith.constant 0 : i32
    %dma_wait3A_149 = tpu.memref_slice %arg5[%dma_wait3A_148] : memref<10000xi32, #tpu.memory_space<vmem>> -> memref<40xi32, #tpu.memory_space<vmem>>
    %dma_wait3A_150 = arith.constant 0 : i32
    %dma_wait3A_151 = arith.constant 0 : i32
    %dma_wait3A_152 = tpu.memref_slice %arg14[%dma_wait3A_150, %dma_wait3A_151] : memref<10000x128xf32, #tpu.memory_space<vmem_shared>> -> memref<10000x128xf32, #tpu.memory_space<vmem_shared>>
    tpu.wait_indirect_dma semaphore(%arg15 : memref<!tpu.dma_semaphore, #tpu.memory_space<semaphore_mem>>) src(%dma_wait3A_152 : memref<10000x128xf32, #tpu.memory_space<vmem_shared>>) dst(%arg12 : memref<40x128xf32, #tpu.memory_space<vmem>>)
    %add3A_153 = arith.constant 240 : i32
    %add3A_154 = arith.addi %mul3A_2, %add3A_153 : i32
    %dma_start3A_155 = arith.constant 0 : i32
    %dma_start3A_156 = tpu.memref_slice %arg4[%add3A_154, %dma_start3A_155] : memref<320000x128xf32, #tpu.memory_space<hbm>> -> memref<40x128xf32, #tpu.memory_space<hbm>>
    %dma_start3A_157 = arith.constant 0 : i32
    %dma_start3A_158 = tpu.memref_slice %arg4[%add3A_154, %dma_start3A_157] : memref<320000x128xf32, #tpu.memory_space<hbm>> -> memref<40x128xf32, #tpu.memory_space<hbm>>
    tpu.enqueue_dma source(%arg12 : memref<40x128xf32, #tpu.memory_space<vmem>>) target(%dma_start3A_158 : memref<40x128xf32, #tpu.memory_space<hbm>>) target_semaphore(%arg23 : memref<!tpu.dma_semaphore, #tpu.memory_space<semaphore_mem>>)
    %add3A_159 = arith.constant 200 : i32
    %add3A_160 = arith.addi %mul3A_2, %add3A_159 : i32
    %dma_wait3A_161 = arith.constant 0 : i32
    %dma_wait3A_162 = tpu.memref_slice %arg4[%add3A_160, %dma_wait3A_161] : memref<320000x128xf32, #tpu.memory_space<hbm>> -> memref<40x128xf32, #tpu.memory_space<hbm>>
    %dma_wait3A_163 = arith.constant 0 : i32
    %dma_wait3A_164 = tpu.memref_slice %arg4[%add3A_160, %dma_wait3A_163] : memref<320000x128xf32, #tpu.memory_space<hbm>> -> memref<40x128xf32, #tpu.memory_space<hbm>>
    tpu.wait_dma2 semaphore(%arg22 : memref<!tpu.dma_semaphore, #tpu.memory_space<semaphore_mem>>) src(%arg11 : memref<40x128xf32, #tpu.memory_space<vmem>>) dst(%dma_wait3A_164 : memref<40x128xf32, #tpu.memory_space<hbm>>)
    %dma_start3A_165 = arith.constant 360 : i32
    %dma_start3A_166 = tpu.memref_slice %arg5[%dma_start3A_165] : memref<10000xi32, #tpu.memory_space<vmem>> -> memref<40xi32, #tpu.memory_space<vmem>>
    %dma_start3A_167 = arith.constant 0 : i32
    %dma_start3A_168 = arith.constant 0 : i32
    %dma_start3A_169 = tpu.memref_slice %arg14[%dma_start3A_167, %dma_start3A_168] : memref<10000x128xf32, #tpu.memory_space<vmem_shared>> -> memref<10000x128xf32, #tpu.memory_space<vmem_shared>>
    tpu.enqueue_indirect_dma source(%dma_start3A_169 : memref<10000x128xf32, #tpu.memory_space<vmem_shared>>) target(%arg7 : memref<40x128xf32, #tpu.memory_space<vmem>>) offsets(%dma_start3A_166 : memref<40xi32, #tpu.memory_space<vmem>>) semaphore(%arg15 : memref<!tpu.dma_semaphore, #tpu.memory_space<semaphore_mem>>)
    %dma_wait3A_170 = arith.constant 0 : i32
    %dma_wait3A_171 = tpu.memref_slice %arg5[%dma_wait3A_170] : memref<10000xi32, #tpu.memory_space<vmem>> -> memref<40xi32, #tpu.memory_space<vmem>>
    %dma_wait3A_172 = arith.constant 0 : i32
    %dma_wait3A_173 = arith.constant 0 : i32
    %dma_wait3A_174 = tpu.memref_slice %arg14[%dma_wait3A_172, %dma_wait3A_173] : memref<10000x128xf32, #tpu.memory_space<vmem_shared>> -> memref<10000x128xf32, #tpu.memory_space<vmem_shared>>
    tpu.wait_indirect_dma semaphore(%arg15 : memref<!tpu.dma_semaphore, #tpu.memory_space<semaphore_mem>>) src(%dma_wait3A_174 : memref<10000x128xf32, #tpu.memory_space<vmem_shared>>) dst(%arg13 : memref<40x128xf32, #tpu.memory_space<vmem>>)
    %add3A_175 = arith.constant 280 : i32
    %add3A_176 = arith.addi %mul3A_2, %add3A_175 : i32
    %dma_start3A_177 = arith.constant 0 : i32
    %dma_start3A_178 = tpu.memref_slice %arg4[%add3A_176, %dma_start3A_177] : memref<320000x128xf32, #tpu.memory_space<hbm>> -> memref<40x128xf32, #tpu.memory_space<hbm>>
    %dma_start3A_179 = arith.constant 0 : i32
    %dma_start3A_180 = tpu.memref_slice %arg4[%add3A_176, %dma_start3A_179] : memref<320000x128xf32, #tpu.memory_space<hbm>> -> memref<40x128xf32, #tpu.memory_space<hbm>>
    tpu.enqueue_dma source(%arg13 : memref<40x128xf32, #tpu.memory_space<vmem>>) target(%dma_start3A_180 : memref<40x128xf32, #tpu.memory_space<hbm>>) target_semaphore(%arg24 : memref<!tpu.dma_semaphore, #tpu.memory_space<semaphore_mem>>)
    %add3A_181 = arith.constant 240 : i32
    %add3A_182 = arith.addi %mul3A_2, %add3A_181 : i32
    %dma_wait3A_183 = arith.constant 0 : i32
    %dma_wait3A_184 = tpu.memref_slice %arg4[%add3A_182, %dma_wait3A_183] : memref<320000x128xf32, #tpu.memory_space<hbm>> -> memref<40x128xf32, #tpu.memory_space<hbm>>
    %dma_wait3A_185 = arith.constant 0 : i32
    %dma_wait3A_186 = tpu.memref_slice %arg4[%add3A_182, %dma_wait3A_185] : memref<320000x128xf32, #tpu.memory_space<hbm>> -> memref<40x128xf32, #tpu.memory_space<hbm>>
    tpu.wait_dma2 semaphore(%arg23 : memref<!tpu.dma_semaphore, #tpu.memory_space<semaphore_mem>>) src(%arg12 : memref<40x128xf32, #tpu.memory_space<vmem>>) dst(%dma_wait3A_186 : memref<40x128xf32, #tpu.memory_space<hbm>>)
    %dma_start3A_187 = arith.constant 400 : i32
    %dma_start3A_188 = tpu.memref_slice %arg5[%dma_start3A_187] : memref<10000xi32, #tpu.memory_space<vmem>> -> memref<40xi32, #tpu.memory_space<vmem>>
    %dma_start3A_189 = arith.constant 0 : i32
    %dma_start3A_190 = arith.constant 0 : i32
    %dma_start3A_191 = tpu.memref_slice %arg14[%dma_start3A_189, %dma_start3A_190] : memref<10000x128xf32, #tpu.memory_space<vmem_shared>> -> memref<10000x128xf32, #tpu.memory_space<vmem_shared>>
    tpu.enqueue_indirect_dma source(%dma_start3A_191 : memref<10000x128xf32, #tpu.memory_space<vmem_shared>>) target(%arg8 : memref<40x128xf32, #tpu.memory_space<vmem>>) offsets(%dma_start3A_188 : memref<40xi32, #tpu.memory_space<vmem>>) semaphore(%arg15 : memref<!tpu.dma_semaphore, #tpu.memory_space<semaphore_mem>>)
    %scan3A = arith.constant 0 : i32
    %scan3A_192 = arith.constant 1 : i32
    %scan3A_193 = arith.constant 29 : i32
    %scan3A_194 = arith.addi %scan3A_192, %scan3A_193 : i32
    %scan3A_195 = arith.constant 1 : i32
    scf.for %scan3A_408 = %scan3A_192 to %scan3A_194 step %scan3A_195  : i32 {
      %mul3A_409 = arith.constant 8 : i32
      %mul3A_410 = arith.muli %mul3A_409, %scan3A_408 : i32
      %add3A_411 = arith.constant 0 : i32
      %add3A_412 = arith.addi %mul3A_410, %add3A_411 : i32
      %dma_wait3A_413 = arith.constant 0 : i32
      %dma_wait3A_414 = tpu.memref_slice %arg5[%dma_wait3A_413] : memref<10000xi32, #tpu.memory_space<vmem>> -> memref<40xi32, #tpu.memory_space<vmem>>
      %dma_wait3A_415 = arith.constant 0 : i32
      %dma_wait3A_416 = arith.constant 0 : i32
      %dma_wait3A_417 = tpu.memref_slice %arg14[%dma_wait3A_415, %dma_wait3A_416] : memref<10000x128xf32, #tpu.memory_space<vmem_shared>> -> memref<10000x128xf32, #tpu.memory_space<vmem_shared>>
      tpu.wait_indirect_dma semaphore(%arg15 : memref<!tpu.dma_semaphore, #tpu.memory_space<semaphore_mem>>) src(%dma_wait3A_417 : memref<10000x128xf32, #tpu.memory_space<vmem_shared>>) dst(%arg6 : memref<40x128xf32, #tpu.memory_space<vmem>>)
      %mul3A_418 = arith.constant 40 : i32
      %mul3A_419 = arith.muli %add3A_412, %mul3A_418 : i32
      %add3A_420 = arith.addi %mul3A_2, %mul3A_419 : i32
      %dma_start3A_421 = arith.constant 0 : i32
      %dma_start3A_422 = tpu.memref_slice %arg4[%add3A_420, %dma_start3A_421] : memref<320000x128xf32, #tpu.memory_space<hbm>> -> memref<40x128xf32, #tpu.memory_space<hbm>>
      %dma_start3A_423 = arith.constant 0 : i32
      %dma_start3A_424 = tpu.memref_slice %arg4[%add3A_420, %dma_start3A_423] : memref<320000x128xf32, #tpu.memory_space<hbm>> -> memref<40x128xf32, #tpu.memory_space<hbm>>
      tpu.enqueue_dma source(%arg6 : memref<40x128xf32, #tpu.memory_space<vmem>>) target(%dma_start3A_424 : memref<40x128xf32, #tpu.memory_space<hbm>>) target_semaphore(%arg17 : memref<!tpu.dma_semaphore, #tpu.memory_space<semaphore_mem>>)
      %sub3A = arith.constant 1 : i32
      %sub3A_425 = arith.subi %add3A_412, %sub3A : i32
      %mul3A_426 = arith.constant 40 : i32
      %mul3A_427 = arith.muli %sub3A_425, %mul3A_426 : i32
      %add3A_428 = arith.addi %mul3A_2, %mul3A_427 : i32
      %dma_wait3A_429 = arith.constant 0 : i32
      %dma_wait3A_430 = tpu.memref_slice %arg4[%add3A_428, %dma_wait3A_429] : memref<320000x128xf32, #tpu.memory_space<hbm>> -> memref<40x128xf32, #tpu.memory_space<hbm>>
      %dma_wait3A_431 = arith.constant 0 : i32
      %dma_wait3A_432 = tpu.memref_slice %arg4[%add3A_428, %dma_wait3A_431] : memref<320000x128xf32, #tpu.memory_space<hbm>> -> memref<40x128xf32, #tpu.memory_space<hbm>>
      tpu.wait_dma2 semaphore(%arg24 : memref<!tpu.dma_semaphore, #tpu.memory_space<semaphore_mem>>) src(%arg13 : memref<40x128xf32, #tpu.memory_space<vmem>>) dst(%dma_wait3A_432 : memref<40x128xf32, #tpu.memory_space<hbm>>)
      %add3A_433 = arith.constant 3 : i32
      %add3A_434 = arith.addi %add3A_412, %add3A_433 : i32
      %mul3A_435 = arith.constant 40 : i32
      %mul3A_436 = arith.muli %add3A_434, %mul3A_435 : i32
      %dma_start3A_437 = tpu.memref_slice %arg5[%mul3A_436] : memref<10000xi32, #tpu.memory_space<vmem>> -> memref<40xi32, #tpu.memory_space<vmem>>
      %dma_start3A_438 = arith.constant 0 : i32
      %dma_start3A_439 = arith.constant 0 : i32
      %dma_start3A_440 = tpu.memref_slice %arg14[%dma_start3A_438, %dma_start3A_439] : memref<10000x128xf32, #tpu.memory_space<vmem_shared>> -> memref<10000x128xf32, #tpu.memory_space<vmem_shared>>
      tpu.enqueue_indirect_dma source(%dma_start3A_440 : memref<10000x128xf32, #tpu.memory_space<vmem_shared>>) target(%arg9 : memref<40x128xf32, #tpu.memory_space<vmem>>) offsets(%dma_start3A_437 : memref<40xi32, #tpu.memory_space<vmem>>) semaphore(%arg15 : memref<!tpu.dma_semaphore, #tpu.memory_space<semaphore_mem>>)
      %add3A_441 = arith.constant 1 : i32
      %add3A_442 = arith.addi %mul3A_410, %add3A_441 : i32
      %dma_wait3A_443 = arith.constant 0 : i32
      %dma_wait3A_444 = tpu.memref_slice %arg5[%dma_wait3A_443] : memref<10000xi32, #tpu.memory_space<vmem>> -> memref<40xi32, #tpu.memory_space<vmem>>
      %dma_wait3A_445 = arith.constant 0 : i32
      %dma_wait3A_446 = arith.constant 0 : i32
      %dma_wait3A_447 = tpu.memref_slice %arg14[%dma_wait3A_445, %dma_wait3A_446] : memref<10000x128xf32, #tpu.memory_space<vmem_shared>> -> memref<10000x128xf32, #tpu.memory_space<vmem_shared>>
      tpu.wait_indirect_dma semaphore(%arg15 : memref<!tpu.dma_semaphore, #tpu.memory_space<semaphore_mem>>) src(%dma_wait3A_447 : memref<10000x128xf32, #tpu.memory_space<vmem_shared>>) dst(%arg7 : memref<40x128xf32, #tpu.memory_space<vmem>>)
      %mul3A_448 = arith.constant 40 : i32
      %mul3A_449 = arith.muli %add3A_442, %mul3A_448 : i32
      %add3A_450 = arith.addi %mul3A_2, %mul3A_449 : i32
      %dma_start3A_451 = arith.constant 0 : i32
      %dma_start3A_452 = tpu.memref_slice %arg4[%add3A_450, %dma_start3A_451] : memref<320000x128xf32, #tpu.memory_space<hbm>> -> memref<40x128xf32, #tpu.memory_space<hbm>>
      %dma_start3A_453 = arith.constant 0 : i32
      %dma_start3A_454 = tpu.memref_slice %arg4[%add3A_450, %dma_start3A_453] : memref<320000x128xf32, #tpu.memory_space<hbm>> -> memref<40x128xf32, #tpu.memory_space<hbm>>
      tpu.enqueue_dma source(%arg7 : memref<40x128xf32, #tpu.memory_space<vmem>>) target(%dma_start3A_454 : memref<40x128xf32, #tpu.memory_space<hbm>>) target_semaphore(%arg18 : memref<!tpu.dma_semaphore, #tpu.memory_space<semaphore_mem>>)
      %sub3A_455 = arith.constant 1 : i32
      %sub3A_456 = arith.subi %add3A_442, %sub3A_455 : i32
      %mul3A_457 = arith.constant 40 : i32
      %mul3A_458 = arith.muli %sub3A_456, %mul3A_457 : i32
      %add3A_459 = arith.addi %mul3A_2, %mul3A_458 : i32
      %dma_wait3A_460 = arith.constant 0 : i32
      %dma_wait3A_461 = tpu.memref_slice %arg4[%add3A_459, %dma_wait3A_460] : memref<320000x128xf32, #tpu.memory_space<hbm>> -> memref<40x128xf32, #tpu.memory_space<hbm>>
      %dma_wait3A_462 = arith.constant 0 : i32
      %dma_wait3A_463 = tpu.memref_slice %arg4[%add3A_459, %dma_wait3A_462] : memref<320000x128xf32, #tpu.memory_space<hbm>> -> memref<40x128xf32, #tpu.memory_space<hbm>>
      tpu.wait_dma2 semaphore(%arg17 : memref<!tpu.dma_semaphore, #tpu.memory_space<semaphore_mem>>) src(%arg6 : memref<40x128xf32, #tpu.memory_space<vmem>>) dst(%dma_wait3A_463 : memref<40x128xf32, #tpu.memory_space<hbm>>)
      %add3A_464 = arith.constant 3 : i32
      %add3A_465 = arith.addi %add3A_442, %add3A_464 : i32
      %mul3A_466 = arith.constant 40 : i32
      %mul3A_467 = arith.muli %add3A_465, %mul3A_466 : i32
      %dma_start3A_468 = tpu.memref_slice %arg5[%mul3A_467] : memref<10000xi32, #tpu.memory_space<vmem>> -> memref<40xi32, #tpu.memory_space<vmem>>
      %dma_start3A_469 = arith.constant 0 : i32
      %dma_start3A_470 = arith.constant 0 : i32
      %dma_start3A_471 = tpu.memref_slice %arg14[%dma_start3A_469, %dma_start3A_470] : memref<10000x128xf32, #tpu.memory_space<vmem_shared>> -> memref<10000x128xf32, #tpu.memory_space<vmem_shared>>
      tpu.enqueue_indirect_dma source(%dma_start3A_471 : memref<10000x128xf32, #tpu.memory_space<vmem_shared>>) target(%arg10 : memref<40x128xf32, #tpu.memory_space<vmem>>) offsets(%dma_start3A_468 : memref<40xi32, #tpu.memory_space<vmem>>) semaphore(%arg15 : memref<!tpu.dma_semaphore, #tpu.memory_space<semaphore_mem>>)
      %add3A_472 = arith.constant 2 : i32
      %add3A_473 = arith.addi %mul3A_410, %add3A_472 : i32
      %dma_wait3A_474 = arith.constant 0 : i32
      %dma_wait3A_475 = tpu.memref_slice %arg5[%dma_wait3A_474] : memref<10000xi32, #tpu.memory_space<vmem>> -> memref<40xi32, #tpu.memory_space<vmem>>
      %dma_wait3A_476 = arith.constant 0 : i32
      %dma_wait3A_477 = arith.constant 0 : i32
      %dma_wait3A_478 = tpu.memref_slice %arg14[%dma_wait3A_476, %dma_wait3A_477] : memref<10000x128xf32, #tpu.memory_space<vmem_shared>> -> memref<10000x128xf32, #tpu.memory_space<vmem_shared>>
      tpu.wait_indirect_dma semaphore(%arg15 : memref<!tpu.dma_semaphore, #tpu.memory_space<semaphore_mem>>) src(%dma_wait3A_478 : memref<10000x128xf32, #tpu.memory_space<vmem_shared>>) dst(%arg8 : memref<40x128xf32, #tpu.memory_space<vmem>>)
      %mul3A_479 = arith.constant 40 : i32
      %mul3A_480 = arith.muli %add3A_473, %mul3A_479 : i32
      %add3A_481 = arith.addi %mul3A_2, %mul3A_480 : i32
      %dma_start3A_482 = arith.constant 0 : i32
      %dma_start3A_483 = tpu.memref_slice %arg4[%add3A_481, %dma_start3A_482] : memref<320000x128xf32, #tpu.memory_space<hbm>> -> memref<40x128xf32, #tpu.memory_space<hbm>>
      %dma_start3A_484 = arith.constant 0 : i32
      %dma_start3A_485 = tpu.memref_slice %arg4[%add3A_481, %dma_start3A_484] : memref<320000x128xf32, #tpu.memory_space<hbm>> -> memref<40x128xf32, #tpu.memory_space<hbm>>
      tpu.enqueue_dma source(%arg8 : memref<40x128xf32, #tpu.memory_space<vmem>>) target(%dma_start3A_485 : memref<40x128xf32, #tpu.memory_space<hbm>>) target_semaphore(%arg19 : memref<!tpu.dma_semaphore, #tpu.memory_space<semaphore_mem>>)
      %sub3A_486 = arith.constant 1 : i32
      %sub3A_487 = arith.subi %add3A_473, %sub3A_486 : i32
      %mul3A_488 = arith.constant 40 : i32
      %mul3A_489 = arith.muli %sub3A_487, %mul3A_488 : i32
      %add3A_490 = arith.addi %mul3A_2, %mul3A_489 : i32
      %dma_wait3A_491 = arith.constant 0 : i32
      %dma_wait3A_492 = tpu.memref_slice %arg4[%add3A_490, %dma_wait3A_491] : memref<320000x128xf32, #tpu.memory_space<hbm>> -> memref<40x128xf32, #tpu.memory_space<hbm>>
      %dma_wait3A_493 = arith.constant 0 : i32
      %dma_wait3A_494 = tpu.memref_slice %arg4[%add3A_490, %dma_wait3A_493] : memref<320000x128xf32, #tpu.memory_space<hbm>> -> memref<40x128xf32, #tpu.memory_space<hbm>>
      tpu.wait_dma2 semaphore(%arg18 : memref<!tpu.dma_semaphore, #tpu.memory_space<semaphore_mem>>) src(%arg7 : memref<40x128xf32, #tpu.memory_space<vmem>>) dst(%dma_wait3A_494 : memref<40x128xf32, #tpu.memory_space<hbm>>)
      %add3A_495 = arith.constant 3 : i32
      %add3A_496 = arith.addi %add3A_473, %add3A_495 : i32
      %mul3A_497 = arith.constant 40 : i32
      %mul3A_498 = arith.muli %add3A_496, %mul3A_497 : i32
      %dma_start3A_499 = tpu.memref_slice %arg5[%mul3A_498] : memref<10000xi32, #tpu.memory_space<vmem>> -> memref<40xi32, #tpu.memory_space<vmem>>
      %dma_start3A_500 = arith.constant 0 : i32
      %dma_start3A_501 = arith.constant 0 : i32
      %dma_start3A_502 = tpu.memref_slice %arg14[%dma_start3A_500, %dma_start3A_501] : memref<10000x128xf32, #tpu.memory_space<vmem_shared>> -> memref<10000x128xf32, #tpu.memory_space<vmem_shared>>
      tpu.enqueue_indirect_dma source(%dma_start3A_502 : memref<10000x128xf32, #tpu.memory_space<vmem_shared>>) target(%arg11 : memref<40x128xf32, #tpu.memory_space<vmem>>) offsets(%dma_start3A_499 : memref<40xi32, #tpu.memory_space<vmem>>) semaphore(%arg15 : memref<!tpu.dma_semaphore, #tpu.memory_space<semaphore_mem>>)
      %add3A_503 = arith.constant 3 : i32
      %add3A_504 = arith.addi %mul3A_410, %add3A_503 : i32
      %dma_wait3A_505 = arith.constant 0 : i32
      %dma_wait3A_506 = tpu.memref_slice %arg5[%dma_wait3A_505] : memref<10000xi32, #tpu.memory_space<vmem>> -> memref<40xi32, #tpu.memory_space<vmem>>
      %dma_wait3A_507 = arith.constant 0 : i32
      %dma_wait3A_508 = arith.constant 0 : i32
      %dma_wait3A_509 = tpu.memref_slice %arg14[%dma_wait3A_507, %dma_wait3A_508] : memref<10000x128xf32, #tpu.memory_space<vmem_shared>> -> memref<10000x128xf32, #tpu.memory_space<vmem_shared>>
      tpu.wait_indirect_dma semaphore(%arg15 : memref<!tpu.dma_semaphore, #tpu.memory_space<semaphore_mem>>) src(%dma_wait3A_509 : memref<10000x128xf32, #tpu.memory_space<vmem_shared>>) dst(%arg9 : memref<40x128xf32, #tpu.memory_space<vmem>>)
      %mul3A_510 = arith.constant 40 : i32
      %mul3A_511 = arith.muli %add3A_504, %mul3A_510 : i32
      %add3A_512 = arith.addi %mul3A_2, %mul3A_511 : i32
      %dma_start3A_513 = arith.constant 0 : i32
      %dma_start3A_514 = tpu.memref_slice %arg4[%add3A_512, %dma_start3A_513] : memref<320000x128xf32, #tpu.memory_space<hbm>> -> memref<40x128xf32, #tpu.memory_space<hbm>>
      %dma_start3A_515 = arith.constant 0 : i32
      %dma_start3A_516 = tpu.memref_slice %arg4[%add3A_512, %dma_start3A_515] : memref<320000x128xf32, #tpu.memory_space<hbm>> -> memref<40x128xf32, #tpu.memory_space<hbm>>
      tpu.enqueue_dma source(%arg9 : memref<40x128xf32, #tpu.memory_space<vmem>>) target(%dma_start3A_516 : memref<40x128xf32, #tpu.memory_space<hbm>>) target_semaphore(%arg20 : memref<!tpu.dma_semaphore, #tpu.memory_space<semaphore_mem>>)
      %sub3A_517 = arith.constant 1 : i32
      %sub3A_518 = arith.subi %add3A_504, %sub3A_517 : i32
      %mul3A_519 = arith.constant 40 : i32
      %mul3A_520 = arith.muli %sub3A_518, %mul3A_519 : i32
      %add3A_521 = arith.addi %mul3A_2, %mul3A_520 : i32
      %dma_wait3A_522 = arith.constant 0 : i32
      %dma_wait3A_523 = tpu.memref_slice %arg4[%add3A_521, %dma_wait3A_522] : memref<320000x128xf32, #tpu.memory_space<hbm>> -> memref<40x128xf32, #tpu.memory_space<hbm>>
      %dma_wait3A_524 = arith.constant 0 : i32
      %dma_wait3A_525 = tpu.memref_slice %arg4[%add3A_521, %dma_wait3A_524] : memref<320000x128xf32, #tpu.memory_space<hbm>> -> memref<40x128xf32, #tpu.memory_space<hbm>>
      tpu.wait_dma2 semaphore(%arg19 : memref<!tpu.dma_semaphore, #tpu.memory_space<semaphore_mem>>) src(%arg8 : memref<40x128xf32, #tpu.memory_space<vmem>>) dst(%dma_wait3A_525 : memref<40x128xf32, #tpu.memory_space<hbm>>)
      %add3A_526 = arith.constant 3 : i32
      %add3A_527 = arith.addi %add3A_504, %add3A_526 : i32
      %mul3A_528 = arith.constant 40 : i32
      %mul3A_529 = arith.muli %add3A_527, %mul3A_528 : i32
      %dma_start3A_530 = tpu.memref_slice %arg5[%mul3A_529] : memref<10000xi32, #tpu.memory_space<vmem>> -> memref<40xi32, #tpu.memory_space<vmem>>
      %dma_start3A_531 = arith.constant 0 : i32
      %dma_start3A_532 = arith.constant 0 : i32
      %dma_start3A_533 = tpu.memref_slice %arg14[%dma_start3A_531, %dma_start3A_532] : memref<10000x128xf32, #tpu.memory_space<vmem_shared>> -> memref<10000x128xf32, #tpu.memory_space<vmem_shared>>
      tpu.enqueue_indirect_dma source(%dma_start3A_533 : memref<10000x128xf32, #tpu.memory_space<vmem_shared>>) target(%arg12 : memref<40x128xf32, #tpu.memory_space<vmem>>) offsets(%dma_start3A_530 : memref<40xi32, #tpu.memory_space<vmem>>) semaphore(%arg15 : memref<!tpu.dma_semaphore, #tpu.memory_space<semaphore_mem>>)
      %add3A_534 = arith.constant 4 : i32
      %add3A_535 = arith.addi %mul3A_410, %add3A_534 : i32
      %dma_wait3A_536 = arith.constant 0 : i32
      %dma_wait3A_537 = tpu.memref_slice %arg5[%dma_wait3A_536] : memref<10000xi32, #tpu.memory_space<vmem>> -> memref<40xi32, #tpu.memory_space<vmem>>
      %dma_wait3A_538 = arith.constant 0 : i32
      %dma_wait3A_539 = arith.constant 0 : i32
      %dma_wait3A_540 = tpu.memref_slice %arg14[%dma_wait3A_538, %dma_wait3A_539] : memref<10000x128xf32, #tpu.memory_space<vmem_shared>> -> memref<10000x128xf32, #tpu.memory_space<vmem_shared>>
      tpu.wait_indirect_dma semaphore(%arg15 : memref<!tpu.dma_semaphore, #tpu.memory_space<semaphore_mem>>) src(%dma_wait3A_540 : memref<10000x128xf32, #tpu.memory_space<vmem_shared>>) dst(%arg10 : memref<40x128xf32, #tpu.memory_space<vmem>>)
      %mul3A_541 = arith.constant 40 : i32
      %mul3A_542 = arith.muli %add3A_535, %mul3A_541 : i32
      %add3A_543 = arith.addi %mul3A_2, %mul3A_542 : i32
      %dma_start3A_544 = arith.constant 0 : i32
      %dma_start3A_545 = tpu.memref_slice %arg4[%add3A_543, %dma_start3A_544] : memref<320000x128xf32, #tpu.memory_space<hbm>> -> memref<40x128xf32, #tpu.memory_space<hbm>>
      %dma_start3A_546 = arith.constant 0 : i32
      %dma_start3A_547 = tpu.memref_slice %arg4[%add3A_543, %dma_start3A_546] : memref<320000x128xf32, #tpu.memory_space<hbm>> -> memref<40x128xf32, #tpu.memory_space<hbm>>
      tpu.enqueue_dma source(%arg10 : memref<40x128xf32, #tpu.memory_space<vmem>>) target(%dma_start3A_547 : memref<40x128xf32, #tpu.memory_space<hbm>>) target_semaphore(%arg21 : memref<!tpu.dma_semaphore, #tpu.memory_space<semaphore_mem>>)
      %sub3A_548 = arith.constant 1 : i32
      %sub3A_549 = arith.subi %add3A_535, %sub3A_548 : i32
      %mul3A_550 = arith.constant 40 : i32
      %mul3A_551 = arith.muli %sub3A_549, %mul3A_550 : i32
      %add3A_552 = arith.addi %mul3A_2, %mul3A_551 : i32
      %dma_wait3A_553 = arith.constant 0 : i32
      %dma_wait3A_554 = tpu.memref_slice %arg4[%add3A_552, %dma_wait3A_553] : memref<320000x128xf32, #tpu.memory_space<hbm>> -> memref<40x128xf32, #tpu.memory_space<hbm>>
      %dma_wait3A_555 = arith.constant 0 : i32
      %dma_wait3A_556 = tpu.memref_slice %arg4[%add3A_552, %dma_wait3A_555] : memref<320000x128xf32, #tpu.memory_space<hbm>> -> memref<40x128xf32, #tpu.memory_space<hbm>>
      tpu.wait_dma2 semaphore(%arg20 : memref<!tpu.dma_semaphore, #tpu.memory_space<semaphore_mem>>) src(%arg9 : memref<40x128xf32, #tpu.memory_space<vmem>>) dst(%dma_wait3A_556 : memref<40x128xf32, #tpu.memory_space<hbm>>)
      %add3A_557 = arith.constant 3 : i32
      %add3A_558 = arith.addi %add3A_535, %add3A_557 : i32
      %mul3A_559 = arith.constant 40 : i32
      %mul3A_560 = arith.muli %add3A_558, %mul3A_559 : i32
      %dma_start3A_561 = tpu.memref_slice %arg5[%mul3A_560] : memref<10000xi32, #tpu.memory_space<vmem>> -> memref<40xi32, #tpu.memory_space<vmem>>
      %dma_start3A_562 = arith.constant 0 : i32
      %dma_start3A_563 = arith.constant 0 : i32
      %dma_start3A_564 = tpu.memref_slice %arg14[%dma_start3A_562, %dma_start3A_563] : memref<10000x128xf32, #tpu.memory_space<vmem_shared>> -> memref<10000x128xf32, #tpu.memory_space<vmem_shared>>
      tpu.enqueue_indirect_dma source(%dma_start3A_564 : memref<10000x128xf32, #tpu.memory_space<vmem_shared>>) target(%arg13 : memref<40x128xf32, #tpu.memory_space<vmem>>) offsets(%dma_start3A_561 : memref<40xi32, #tpu.memory_space<vmem>>) semaphore(%arg15 : memref<!tpu.dma_semaphore, #tpu.memory_space<semaphore_mem>>)
      %add3A_565 = arith.constant 5 : i32
      %add3A_566 = arith.addi %mul3A_410, %add3A_565 : i32
      %dma_wait3A_567 = arith.constant 0 : i32
      %dma_wait3A_568 = tpu.memref_slice %arg5[%dma_wait3A_567] : memref<10000xi32, #tpu.memory_space<vmem>> -> memref<40xi32, #tpu.memory_space<vmem>>
      %dma_wait3A_569 = arith.constant 0 : i32
      %dma_wait3A_570 = arith.constant 0 : i32
      %dma_wait3A_571 = tpu.memref_slice %arg14[%dma_wait3A_569, %dma_wait3A_570] : memref<10000x128xf32, #tpu.memory_space<vmem_shared>> -> memref<10000x128xf32, #tpu.memory_space<vmem_shared>>
      tpu.wait_indirect_dma semaphore(%arg15 : memref<!tpu.dma_semaphore, #tpu.memory_space<semaphore_mem>>) src(%dma_wait3A_571 : memref<10000x128xf32, #tpu.memory_space<vmem_shared>>) dst(%arg11 : memref<40x128xf32, #tpu.memory_space<vmem>>)
      %mul3A_572 = arith.constant 40 : i32
      %mul3A_573 = arith.muli %add3A_566, %mul3A_572 : i32
      %add3A_574 = arith.addi %mul3A_2, %mul3A_573 : i32
      %dma_start3A_575 = arith.constant 0 : i32
      %dma_start3A_576 = tpu.memref_slice %arg4[%add3A_574, %dma_start3A_575] : memref<320000x128xf32, #tpu.memory_space<hbm>> -> memref<40x128xf32, #tpu.memory_space<hbm>>
      %dma_start3A_577 = arith.constant 0 : i32
      %dma_start3A_578 = tpu.memref_slice %arg4[%add3A_574, %dma_start3A_577] : memref<320000x128xf32, #tpu.memory_space<hbm>> -> memref<40x128xf32, #tpu.memory_space<hbm>>
      tpu.enqueue_dma source(%arg11 : memref<40x128xf32, #tpu.memory_space<vmem>>) target(%dma_start3A_578 : memref<40x128xf32, #tpu.memory_space<hbm>>) target_semaphore(%arg22 : memref<!tpu.dma_semaphore, #tpu.memory_space<semaphore_mem>>)
      %sub3A_579 = arith.constant 1 : i32
      %sub3A_580 = arith.subi %add3A_566, %sub3A_579 : i32
      %mul3A_581 = arith.constant 40 : i32
      %mul3A_582 = arith.muli %sub3A_580, %mul3A_581 : i32
      %add3A_583 = arith.addi %mul3A_2, %mul3A_582 : i32
      %dma_wait3A_584 = arith.constant 0 : i32
      %dma_wait3A_585 = tpu.memref_slice %arg4[%add3A_583, %dma_wait3A_584] : memref<320000x128xf32, #tpu.memory_space<hbm>> -> memref<40x128xf32, #tpu.memory_space<hbm>>
      %dma_wait3A_586 = arith.constant 0 : i32
      %dma_wait3A_587 = tpu.memref_slice %arg4[%add3A_583, %dma_wait3A_586] : memref<320000x128xf32, #tpu.memory_space<hbm>> -> memref<40x128xf32, #tpu.memory_space<hbm>>
      tpu.wait_dma2 semaphore(%arg21 : memref<!tpu.dma_semaphore, #tpu.memory_space<semaphore_mem>>) src(%arg10 : memref<40x128xf32, #tpu.memory_space<vmem>>) dst(%dma_wait3A_587 : memref<40x128xf32, #tpu.memory_space<hbm>>)
      %add3A_588 = arith.constant 3 : i32
      %add3A_589 = arith.addi %add3A_566, %add3A_588 : i32
      %mul3A_590 = arith.constant 40 : i32
      %mul3A_591 = arith.muli %add3A_589, %mul3A_590 : i32
      %dma_start3A_592 = tpu.memref_slice %arg5[%mul3A_591] : memref<10000xi32, #tpu.memory_space<vmem>> -> memref<40xi32, #tpu.memory_space<vmem>>
      %dma_start3A_593 = arith.constant 0 : i32
      %dma_start3A_594 = arith.constant 0 : i32
      %dma_start3A_595 = tpu.memref_slice %arg14[%dma_start3A_593, %dma_start3A_594] : memref<10000x128xf32, #tpu.memory_space<vmem_shared>> -> memref<10000x128xf32, #tpu.memory_space<vmem_shared>>
      tpu.enqueue_indirect_dma source(%dma_start3A_595 : memref<10000x128xf32, #tpu.memory_space<vmem_shared>>) target(%arg6 : memref<40x128xf32, #tpu.memory_space<vmem>>) offsets(%dma_start3A_592 : memref<40xi32, #tpu.memory_space<vmem>>) semaphore(%arg15 : memref<!tpu.dma_semaphore, #tpu.memory_space<semaphore_mem>>)
      %add3A_596 = arith.constant 6 : i32
      %add3A_597 = arith.addi %mul3A_410, %add3A_596 : i32
      %dma_wait3A_598 = arith.constant 0 : i32
      %dma_wait3A_599 = tpu.memref_slice %arg5[%dma_wait3A_598] : memref<10000xi32, #tpu.memory_space<vmem>> -> memref<40xi32, #tpu.memory_space<vmem>>
      %dma_wait3A_600 = arith.constant 0 : i32
      %dma_wait3A_601 = arith.constant 0 : i32
      %dma_wait3A_602 = tpu.memref_slice %arg14[%dma_wait3A_600, %dma_wait3A_601] : memref<10000x128xf32, #tpu.memory_space<vmem_shared>> -> memref<10000x128xf32, #tpu.memory_space<vmem_shared>>
      tpu.wait_indirect_dma semaphore(%arg15 : memref<!tpu.dma_semaphore, #tpu.memory_space<semaphore_mem>>) src(%dma_wait3A_602 : memref<10000x128xf32, #tpu.memory_space<vmem_shared>>) dst(%arg12 : memref<40x128xf32, #tpu.memory_space<vmem>>)
      %mul3A_603 = arith.constant 40 : i32
      %mul3A_604 = arith.muli %add3A_597, %mul3A_603 : i32
      %add3A_605 = arith.addi %mul3A_2, %mul3A_604 : i32
      %dma_start3A_606 = arith.constant 0 : i32
      %dma_start3A_607 = tpu.memref_slice %arg4[%add3A_605, %dma_start3A_606] : memref<320000x128xf32, #tpu.memory_space<hbm>> -> memref<40x128xf32, #tpu.memory_space<hbm>>
      %dma_start3A_608 = arith.constant 0 : i32
      %dma_start3A_609 = tpu.memref_slice %arg4[%add3A_605, %dma_start3A_608] : memref<320000x128xf32, #tpu.memory_space<hbm>> -> memref<40x128xf32, #tpu.memory_space<hbm>>
      tpu.enqueue_dma source(%arg12 : memref<40x128xf32, #tpu.memory_space<vmem>>) target(%dma_start3A_609 : memref<40x128xf32, #tpu.memory_space<hbm>>) target_semaphore(%arg23 : memref<!tpu.dma_semaphore, #tpu.memory_space<semaphore_mem>>)
      %sub3A_610 = arith.constant 1 : i32
      %sub3A_611 = arith.subi %add3A_597, %sub3A_610 : i32
      %mul3A_612 = arith.constant 40 : i32
      %mul3A_613 = arith.muli %sub3A_611, %mul3A_612 : i32
      %add3A_614 = arith.addi %mul3A_2, %mul3A_613 : i32
      %dma_wait3A_615 = arith.constant 0 : i32
      %dma_wait3A_616 = tpu.memref_slice %arg4[%add3A_614, %dma_wait3A_615] : memref<320000x128xf32, #tpu.memory_space<hbm>> -> memref<40x128xf32, #tpu.memory_space<hbm>>
      %dma_wait3A_617 = arith.constant 0 : i32
      %dma_wait3A_618 = tpu.memref_slice %arg4[%add3A_614, %dma_wait3A_617] : memref<320000x128xf32, #tpu.memory_space<hbm>> -> memref<40x128xf32, #tpu.memory_space<hbm>>
      tpu.wait_dma2 semaphore(%arg22 : memref<!tpu.dma_semaphore, #tpu.memory_space<semaphore_mem>>) src(%arg11 : memref<40x128xf32, #tpu.memory_space<vmem>>) dst(%dma_wait3A_618 : memref<40x128xf32, #tpu.memory_space<hbm>>)
      %add3A_619 = arith.constant 3 : i32
      %add3A_620 = arith.addi %add3A_597, %add3A_619 : i32
      %mul3A_621 = arith.constant 40 : i32
      %mul3A_622 = arith.muli %add3A_620, %mul3A_621 : i32
      %dma_start3A_623 = tpu.memref_slice %arg5[%mul3A_622] : memref<10000xi32, #tpu.memory_space<vmem>> -> memref<40xi32, #tpu.memory_space<vmem>>
      %dma_start3A_624 = arith.constant 0 : i32
      %dma_start3A_625 = arith.constant 0 : i32
      %dma_start3A_626 = tpu.memref_slice %arg14[%dma_start3A_624, %dma_start3A_625] : memref<10000x128xf32, #tpu.memory_space<vmem_shared>> -> memref<10000x128xf32, #tpu.memory_space<vmem_shared>>
      tpu.enqueue_indirect_dma source(%dma_start3A_626 : memref<10000x128xf32, #tpu.memory_space<vmem_shared>>) target(%arg7 : memref<40x128xf32, #tpu.memory_space<vmem>>) offsets(%dma_start3A_623 : memref<40xi32, #tpu.memory_space<vmem>>) semaphore(%arg15 : memref<!tpu.dma_semaphore, #tpu.memory_space<semaphore_mem>>)
      %add3A_627 = arith.constant 7 : i32
      %add3A_628 = arith.addi %mul3A_410, %add3A_627 : i32
      %dma_wait3A_629 = arith.constant 0 : i32
      %dma_wait3A_630 = tpu.memref_slice %arg5[%dma_wait3A_629] : memref<10000xi32, #tpu.memory_space<vmem>> -> memref<40xi32, #tpu.memory_space<vmem>>
      %dma_wait3A_631 = arith.constant 0 : i32
      %dma_wait3A_632 = arith.constant 0 : i32
      %dma_wait3A_633 = tpu.memref_slice %arg14[%dma_wait3A_631, %dma_wait3A_632] : memref<10000x128xf32, #tpu.memory_space<vmem_shared>> -> memref<10000x128xf32, #tpu.memory_space<vmem_shared>>
      tpu.wait_indirect_dma semaphore(%arg15 : memref<!tpu.dma_semaphore, #tpu.memory_space<semaphore_mem>>) src(%dma_wait3A_633 : memref<10000x128xf32, #tpu.memory_space<vmem_shared>>) dst(%arg13 : memref<40x128xf32, #tpu.memory_space<vmem>>)
      %mul3A_634 = arith.constant 40 : i32
      %mul3A_635 = arith.muli %add3A_628, %mul3A_634 : i32
      %add3A_636 = arith.addi %mul3A_2, %mul3A_635 : i32
      %dma_start3A_637 = arith.constant 0 : i32
      %dma_start3A_638 = tpu.memref_slice %arg4[%add3A_636, %dma_start3A_637] : memref<320000x128xf32, #tpu.memory_space<hbm>> -> memref<40x128xf32, #tpu.memory_space<hbm>>
      %dma_start3A_639 = arith.constant 0 : i32
      %dma_start3A_640 = tpu.memref_slice %arg4[%add3A_636, %dma_start3A_639] : memref<320000x128xf32, #tpu.memory_space<hbm>> -> memref<40x128xf32, #tpu.memory_space<hbm>>
      tpu.enqueue_dma source(%arg13 : memref<40x128xf32, #tpu.memory_space<vmem>>) target(%dma_start3A_640 : memref<40x128xf32, #tpu.memory_space<hbm>>) target_semaphore(%arg24 : memref<!tpu.dma_semaphore, #tpu.memory_space<semaphore_mem>>)
      %sub3A_641 = arith.constant 1 : i32
      %sub3A_642 = arith.subi %add3A_628, %sub3A_641 : i32
      %mul3A_643 = arith.constant 40 : i32
      %mul3A_644 = arith.muli %sub3A_642, %mul3A_643 : i32
      %add3A_645 = arith.addi %mul3A_2, %mul3A_644 : i32
      %dma_wait3A_646 = arith.constant 0 : i32
      %dma_wait3A_647 = tpu.memref_slice %arg4[%add3A_645, %dma_wait3A_646] : memref<320000x128xf32, #tpu.memory_space<hbm>> -> memref<40x128xf32, #tpu.memory_space<hbm>>
      %dma_wait3A_648 = arith.constant 0 : i32
      %dma_wait3A_649 = tpu.memref_slice %arg4[%add3A_645, %dma_wait3A_648] : memref<320000x128xf32, #tpu.memory_space<hbm>> -> memref<40x128xf32, #tpu.memory_space<hbm>>
      tpu.wait_dma2 semaphore(%arg23 : memref<!tpu.dma_semaphore, #tpu.memory_space<semaphore_mem>>) src(%arg12 : memref<40x128xf32, #tpu.memory_space<vmem>>) dst(%dma_wait3A_649 : memref<40x128xf32, #tpu.memory_space<hbm>>)
      %add3A_650 = arith.constant 3 : i32
      %add3A_651 = arith.addi %add3A_628, %add3A_650 : i32
      %mul3A_652 = arith.constant 40 : i32
      %mul3A_653 = arith.muli %add3A_651, %mul3A_652 : i32
      %dma_start3A_654 = tpu.memref_slice %arg5[%mul3A_653] : memref<10000xi32, #tpu.memory_space<vmem>> -> memref<40xi32, #tpu.memory_space<vmem>>
      %dma_start3A_655 = arith.constant 0 : i32
      %dma_start3A_656 = arith.constant 0 : i32
      %dma_start3A_657 = tpu.memref_slice %arg14[%dma_start3A_655, %dma_start3A_656] : memref<10000x128xf32, #tpu.memory_space<vmem_shared>> -> memref<10000x128xf32, #tpu.memory_space<vmem_shared>>
      tpu.enqueue_indirect_dma source(%dma_start3A_657 : memref<10000x128xf32, #tpu.memory_space<vmem_shared>>) target(%arg8 : memref<40x128xf32, #tpu.memory_space<vmem>>) offsets(%dma_start3A_654 : memref<40xi32, #tpu.memory_space<vmem>>) semaphore(%arg15 : memref<!tpu.dma_semaphore, #tpu.memory_space<semaphore_mem>>)
    }
    %scan3A_196 = arith.constant 29 : i32
    %dma_wait3A_197 = arith.constant 0 : i32
    %dma_wait3A_198 = tpu.memref_slice %arg5[%dma_wait3A_197] : memref<10000xi32, #tpu.memory_space<vmem>> -> memref<40xi32, #tpu.memory_space<vmem>>
    %dma_wait3A_199 = arith.constant 0 : i32
    %dma_wait3A_200 = arith.constant 0 : i32
    %dma_wait3A_201 = tpu.memref_slice %arg14[%dma_wait3A_199, %dma_wait3A_200] : memref<10000x128xf32, #tpu.memory_space<vmem_shared>> -> memref<10000x128xf32, #tpu.memory_space<vmem_shared>>
    tpu.wait_indirect_dma semaphore(%arg15 : memref<!tpu.dma_semaphore, #tpu.memory_space<semaphore_mem>>) src(%dma_wait3A_201 : memref<10000x128xf32, #tpu.memory_space<vmem_shared>>) dst(%arg6 : memref<40x128xf32, #tpu.memory_space<vmem>>)
    %add3A_202 = arith.constant 9600 : i32
    %add3A_203 = arith.addi %mul3A_2, %add3A_202 : i32
    %dma_start3A_204 = arith.constant 0 : i32
    %dma_start3A_205 = tpu.memref_slice %arg4[%add3A_203, %dma_start3A_204] : memref<320000x128xf32, #tpu.memory_space<hbm>> -> memref<40x128xf32, #tpu.memory_space<hbm>>
    %dma_start3A_206 = arith.constant 0 : i32
    %dma_start3A_207 = tpu.memref_slice %arg4[%add3A_203, %dma_start3A_206] : memref<320000x128xf32, #tpu.memory_space<hbm>> -> memref<40x128xf32, #tpu.memory_space<hbm>>
    tpu.enqueue_dma source(%arg6 : memref<40x128xf32, #tpu.memory_space<vmem>>) target(%dma_start3A_207 : memref<40x128xf32, #tpu.memory_space<hbm>>) target_semaphore(%arg17 : memref<!tpu.dma_semaphore, #tpu.memory_space<semaphore_mem>>)
    %add3A_208 = arith.constant 9560 : i32
    %add3A_209 = arith.addi %mul3A_2, %add3A_208 : i32
    %dma_wait3A_210 = arith.constant 0 : i32
    %dma_wait3A_211 = tpu.memref_slice %arg4[%add3A_209, %dma_wait3A_210] : memref<320000x128xf32, #tpu.memory_space<hbm>> -> memref<40x128xf32, #tpu.memory_space<hbm>>
    %dma_wait3A_212 = arith.constant 0 : i32
    %dma_wait3A_213 = tpu.memref_slice %arg4[%add3A_209, %dma_wait3A_212] : memref<320000x128xf32, #tpu.memory_space<hbm>> -> memref<40x128xf32, #tpu.memory_space<hbm>>
    tpu.wait_dma2 semaphore(%arg24 : memref<!tpu.dma_semaphore, #tpu.memory_space<semaphore_mem>>) src(%arg13 : memref<40x128xf32, #tpu.memory_space<vmem>>) dst(%dma_wait3A_213 : memref<40x128xf32, #tpu.memory_space<hbm>>)
    %dma_start3A_214 = arith.constant 9720 : i32
    %dma_start3A_215 = tpu.memref_slice %arg5[%dma_start3A_214] : memref<10000xi32, #tpu.memory_space<vmem>> -> memref<40xi32, #tpu.memory_space<vmem>>
    %dma_start3A_216 = arith.constant 0 : i32
    %dma_start3A_217 = arith.constant 0 : i32
    %dma_start3A_218 = tpu.memref_slice %arg14[%dma_start3A_216, %dma_start3A_217] : memref<10000x128xf32, #tpu.memory_space<vmem_shared>> -> memref<10000x128xf32, #tpu.memory_space<vmem_shared>>
    tpu.enqueue_indirect_dma source(%dma_start3A_218 : memref<10000x128xf32, #tpu.memory_space<vmem_shared>>) target(%arg9 : memref<40x128xf32, #tpu.memory_space<vmem>>) offsets(%dma_start3A_215 : memref<40xi32, #tpu.memory_space<vmem>>) semaphore(%arg15 : memref<!tpu.dma_semaphore, #tpu.memory_space<semaphore_mem>>)
    %dma_wait3A_219 = arith.constant 0 : i32
    %dma_wait3A_220 = tpu.memref_slice %arg5[%dma_wait3A_219] : memref<10000xi32, #tpu.memory_space<vmem>> -> memref<40xi32, #tpu.memory_space<vmem>>
    %dma_wait3A_221 = arith.constant 0 : i32
    %dma_wait3A_222 = arith.constant 0 : i32
    %dma_wait3A_223 = tpu.memref_slice %arg14[%dma_wait3A_221, %dma_wait3A_222] : memref<10000x128xf32, #tpu.memory_space<vmem_shared>> -> memref<10000x128xf32, #tpu.memory_space<vmem_shared>>
    tpu.wait_indirect_dma semaphore(%arg15 : memref<!tpu.dma_semaphore, #tpu.memory_space<semaphore_mem>>) src(%dma_wait3A_223 : memref<10000x128xf32, #tpu.memory_space<vmem_shared>>) dst(%arg7 : memref<40x128xf32, #tpu.memory_space<vmem>>)
    %add3A_224 = arith.constant 9640 : i32
    %add3A_225 = arith.addi %mul3A_2, %add3A_224 : i32
    %dma_start3A_226 = arith.constant 0 : i32
    %dma_start3A_227 = tpu.memref_slice %arg4[%add3A_225, %dma_start3A_226] : memref<320000x128xf32, #tpu.memory_space<hbm>> -> memref<40x128xf32, #tpu.memory_space<hbm>>
    %dma_start3A_228 = arith.constant 0 : i32
    %dma_start3A_229 = tpu.memref_slice %arg4[%add3A_225, %dma_start3A_228] : memref<320000x128xf32, #tpu.memory_space<hbm>> -> memref<40x128xf32, #tpu.memory_space<hbm>>
    tpu.enqueue_dma source(%arg7 : memref<40x128xf32, #tpu.memory_space<vmem>>) target(%dma_start3A_229 : memref<40x128xf32, #tpu.memory_space<hbm>>) target_semaphore(%arg18 : memref<!tpu.dma_semaphore, #tpu.memory_space<semaphore_mem>>)
    %add3A_230 = arith.constant 9600 : i32
    %add3A_231 = arith.addi %mul3A_2, %add3A_230 : i32
    %dma_wait3A_232 = arith.constant 0 : i32
    %dma_wait3A_233 = tpu.memref_slice %arg4[%add3A_231, %dma_wait3A_232] : memref<320000x128xf32, #tpu.memory_space<hbm>> -> memref<40x128xf32, #tpu.memory_space<hbm>>
    %dma_wait3A_234 = arith.constant 0 : i32
    %dma_wait3A_235 = tpu.memref_slice %arg4[%add3A_231, %dma_wait3A_234] : memref<320000x128xf32, #tpu.memory_space<hbm>> -> memref<40x128xf32, #tpu.memory_space<hbm>>
    tpu.wait_dma2 semaphore(%arg17 : memref<!tpu.dma_semaphore, #tpu.memory_space<semaphore_mem>>) src(%arg6 : memref<40x128xf32, #tpu.memory_space<vmem>>) dst(%dma_wait3A_235 : memref<40x128xf32, #tpu.memory_space<hbm>>)
    %dma_start3A_236 = arith.constant 9760 : i32
    %dma_start3A_237 = tpu.memref_slice %arg5[%dma_start3A_236] : memref<10000xi32, #tpu.memory_space<vmem>> -> memref<40xi32, #tpu.memory_space<vmem>>
    %dma_start3A_238 = arith.constant 0 : i32
    %dma_start3A_239 = arith.constant 0 : i32
    %dma_start3A_240 = tpu.memref_slice %arg14[%dma_start3A_238, %dma_start3A_239] : memref<10000x128xf32, #tpu.memory_space<vmem_shared>> -> memref<10000x128xf32, #tpu.memory_space<vmem_shared>>
    tpu.enqueue_indirect_dma source(%dma_start3A_240 : memref<10000x128xf32, #tpu.memory_space<vmem_shared>>) target(%arg10 : memref<40x128xf32, #tpu.memory_space<vmem>>) offsets(%dma_start3A_237 : memref<40xi32, #tpu.memory_space<vmem>>) semaphore(%arg15 : memref<!tpu.dma_semaphore, #tpu.memory_space<semaphore_mem>>)
    %dma_wait3A_241 = arith.constant 0 : i32
    %dma_wait3A_242 = tpu.memref_slice %arg5[%dma_wait3A_241] : memref<10000xi32, #tpu.memory_space<vmem>> -> memref<40xi32, #tpu.memory_space<vmem>>
    %dma_wait3A_243 = arith.constant 0 : i32
    %dma_wait3A_244 = arith.constant 0 : i32
    %dma_wait3A_245 = tpu.memref_slice %arg14[%dma_wait3A_243, %dma_wait3A_244] : memref<10000x128xf32, #tpu.memory_space<vmem_shared>> -> memref<10000x128xf32, #tpu.memory_space<vmem_shared>>
    tpu.wait_indirect_dma semaphore(%arg15 : memref<!tpu.dma_semaphore, #tpu.memory_space<semaphore_mem>>) src(%dma_wait3A_245 : memref<10000x128xf32, #tpu.memory_space<vmem_shared>>) dst(%arg8 : memref<40x128xf32, #tpu.memory_space<vmem>>)
    %add3A_246 = arith.constant 9680 : i32
    %add3A_247 = arith.addi %mul3A_2, %add3A_246 : i32
    %dma_start3A_248 = arith.constant 0 : i32
    %dma_start3A_249 = tpu.memref_slice %arg4[%add3A_247, %dma_start3A_248] : memref<320000x128xf32, #tpu.memory_space<hbm>> -> memref<40x128xf32, #tpu.memory_space<hbm>>
    %dma_start3A_250 = arith.constant 0 : i32
    %dma_start3A_251 = tpu.memref_slice %arg4[%add3A_247, %dma_start3A_250] : memref<320000x128xf32, #tpu.memory_space<hbm>> -> memref<40x128xf32, #tpu.memory_space<hbm>>
    tpu.enqueue_dma source(%arg8 : memref<40x128xf32, #tpu.memory_space<vmem>>) target(%dma_start3A_251 : memref<40x128xf32, #tpu.memory_space<hbm>>) target_semaphore(%arg19 : memref<!tpu.dma_semaphore, #tpu.memory_space<semaphore_mem>>)
    %add3A_252 = arith.constant 9640 : i32
    %add3A_253 = arith.addi %mul3A_2, %add3A_252 : i32
    %dma_wait3A_254 = arith.constant 0 : i32
    %dma_wait3A_255 = tpu.memref_slice %arg4[%add3A_253, %dma_wait3A_254] : memref<320000x128xf32, #tpu.memory_space<hbm>> -> memref<40x128xf32, #tpu.memory_space<hbm>>
    %dma_wait3A_256 = arith.constant 0 : i32
    %dma_wait3A_257 = tpu.memref_slice %arg4[%add3A_253, %dma_wait3A_256] : memref<320000x128xf32, #tpu.memory_space<hbm>> -> memref<40x128xf32, #tpu.memory_space<hbm>>
    tpu.wait_dma2 semaphore(%arg18 : memref<!tpu.dma_semaphore, #tpu.memory_space<semaphore_mem>>) src(%arg7 : memref<40x128xf32, #tpu.memory_space<vmem>>) dst(%dma_wait3A_257 : memref<40x128xf32, #tpu.memory_space<hbm>>)
    %dma_start3A_258 = arith.constant 9800 : i32
    %dma_start3A_259 = tpu.memref_slice %arg5[%dma_start3A_258] : memref<10000xi32, #tpu.memory_space<vmem>> -> memref<40xi32, #tpu.memory_space<vmem>>
    %dma_start3A_260 = arith.constant 0 : i32
    %dma_start3A_261 = arith.constant 0 : i32
    %dma_start3A_262 = tpu.memref_slice %arg14[%dma_start3A_260, %dma_start3A_261] : memref<10000x128xf32, #tpu.memory_space<vmem_shared>> -> memref<10000x128xf32, #tpu.memory_space<vmem_shared>>
    tpu.enqueue_indirect_dma source(%dma_start3A_262 : memref<10000x128xf32, #tpu.memory_space<vmem_shared>>) target(%arg11 : memref<40x128xf32, #tpu.memory_space<vmem>>) offsets(%dma_start3A_259 : memref<40xi32, #tpu.memory_space<vmem>>) semaphore(%arg15 : memref<!tpu.dma_semaphore, #tpu.memory_space<semaphore_mem>>)
    %dma_wait3A_263 = arith.constant 0 : i32
    %dma_wait3A_264 = tpu.memref_slice %arg5[%dma_wait3A_263] : memref<10000xi32, #tpu.memory_space<vmem>> -> memref<40xi32, #tpu.memory_space<vmem>>
    %dma_wait3A_265 = arith.constant 0 : i32
    %dma_wait3A_266 = arith.constant 0 : i32
    %dma_wait3A_267 = tpu.memref_slice %arg14[%dma_wait3A_265, %dma_wait3A_266] : memref<10000x128xf32, #tpu.memory_space<vmem_shared>> -> memref<10000x128xf32, #tpu.memory_space<vmem_shared>>
    tpu.wait_indirect_dma semaphore(%arg15 : memref<!tpu.dma_semaphore, #tpu.memory_space<semaphore_mem>>) src(%dma_wait3A_267 : memref<10000x128xf32, #tpu.memory_space<vmem_shared>>) dst(%arg9 : memref<40x128xf32, #tpu.memory_space<vmem>>)
    %add3A_268 = arith.constant 9720 : i32
    %add3A_269 = arith.addi %mul3A_2, %add3A_268 : i32
    %dma_start3A_270 = arith.constant 0 : i32
    %dma_start3A_271 = tpu.memref_slice %arg4[%add3A_269, %dma_start3A_270] : memref<320000x128xf32, #tpu.memory_space<hbm>> -> memref<40x128xf32, #tpu.memory_space<hbm>>
    %dma_start3A_272 = arith.constant 0 : i32
    %dma_start3A_273 = tpu.memref_slice %arg4[%add3A_269, %dma_start3A_272] : memref<320000x128xf32, #tpu.memory_space<hbm>> -> memref<40x128xf32, #tpu.memory_space<hbm>>
    tpu.enqueue_dma source(%arg9 : memref<40x128xf32, #tpu.memory_space<vmem>>) target(%dma_start3A_273 : memref<40x128xf32, #tpu.memory_space<hbm>>) target_semaphore(%arg20 : memref<!tpu.dma_semaphore, #tpu.memory_space<semaphore_mem>>)
    %add3A_274 = arith.constant 9680 : i32
    %add3A_275 = arith.addi %mul3A_2, %add3A_274 : i32
    %dma_wait3A_276 = arith.constant 0 : i32
    %dma_wait3A_277 = tpu.memref_slice %arg4[%add3A_275, %dma_wait3A_276] : memref<320000x128xf32, #tpu.memory_space<hbm>> -> memref<40x128xf32, #tpu.memory_space<hbm>>
    %dma_wait3A_278 = arith.constant 0 : i32
    %dma_wait3A_279 = tpu.memref_slice %arg4[%add3A_275, %dma_wait3A_278] : memref<320000x128xf32, #tpu.memory_space<hbm>> -> memref<40x128xf32, #tpu.memory_space<hbm>>
    tpu.wait_dma2 semaphore(%arg19 : memref<!tpu.dma_semaphore, #tpu.memory_space<semaphore_mem>>) src(%arg8 : memref<40x128xf32, #tpu.memory_space<vmem>>) dst(%dma_wait3A_279 : memref<40x128xf32, #tpu.memory_space<hbm>>)
    %dma_start3A_280 = arith.constant 9840 : i32
    %dma_start3A_281 = tpu.memref_slice %arg5[%dma_start3A_280] : memref<10000xi32, #tpu.memory_space<vmem>> -> memref<40xi32, #tpu.memory_space<vmem>>
    %dma_start3A_282 = arith.constant 0 : i32
    %dma_start3A_283 = arith.constant 0 : i32
    %dma_start3A_284 = tpu.memref_slice %arg14[%dma_start3A_282, %dma_start3A_283] : memref<10000x128xf32, #tpu.memory_space<vmem_shared>> -> memref<10000x128xf32, #tpu.memory_space<vmem_shared>>
    tpu.enqueue_indirect_dma source(%dma_start3A_284 : memref<10000x128xf32, #tpu.memory_space<vmem_shared>>) target(%arg12 : memref<40x128xf32, #tpu.memory_space<vmem>>) offsets(%dma_start3A_281 : memref<40xi32, #tpu.memory_space<vmem>>) semaphore(%arg15 : memref<!tpu.dma_semaphore, #tpu.memory_space<semaphore_mem>>)
    %dma_wait3A_285 = arith.constant 0 : i32
    %dma_wait3A_286 = tpu.memref_slice %arg5[%dma_wait3A_285] : memref<10000xi32, #tpu.memory_space<vmem>> -> memref<40xi32, #tpu.memory_space<vmem>>
    %dma_wait3A_287 = arith.constant 0 : i32
    %dma_wait3A_288 = arith.constant 0 : i32
    %dma_wait3A_289 = tpu.memref_slice %arg14[%dma_wait3A_287, %dma_wait3A_288] : memref<10000x128xf32, #tpu.memory_space<vmem_shared>> -> memref<10000x128xf32, #tpu.memory_space<vmem_shared>>
    tpu.wait_indirect_dma semaphore(%arg15 : memref<!tpu.dma_semaphore, #tpu.memory_space<semaphore_mem>>) src(%dma_wait3A_289 : memref<10000x128xf32, #tpu.memory_space<vmem_shared>>) dst(%arg10 : memref<40x128xf32, #tpu.memory_space<vmem>>)
    %add3A_290 = arith.constant 9760 : i32
    %add3A_291 = arith.addi %mul3A_2, %add3A_290 : i32
    %dma_start3A_292 = arith.constant 0 : i32
    %dma_start3A_293 = tpu.memref_slice %arg4[%add3A_291, %dma_start3A_292] : memref<320000x128xf32, #tpu.memory_space<hbm>> -> memref<40x128xf32, #tpu.memory_space<hbm>>
    %dma_start3A_294 = arith.constant 0 : i32
    %dma_start3A_295 = tpu.memref_slice %arg4[%add3A_291, %dma_start3A_294] : memref<320000x128xf32, #tpu.memory_space<hbm>> -> memref<40x128xf32, #tpu.memory_space<hbm>>
    tpu.enqueue_dma source(%arg10 : memref<40x128xf32, #tpu.memory_space<vmem>>) target(%dma_start3A_295 : memref<40x128xf32, #tpu.memory_space<hbm>>) target_semaphore(%arg21 : memref<!tpu.dma_semaphore, #tpu.memory_space<semaphore_mem>>)
    %add3A_296 = arith.constant 9720 : i32
    %add3A_297 = arith.addi %mul3A_2, %add3A_296 : i32
    %dma_wait3A_298 = arith.constant 0 : i32
    %dma_wait3A_299 = tpu.memref_slice %arg4[%add3A_297, %dma_wait3A_298] : memref<320000x128xf32, #tpu.memory_space<hbm>> -> memref<40x128xf32, #tpu.memory_space<hbm>>
    %dma_wait3A_300 = arith.constant 0 : i32
    %dma_wait3A_301 = tpu.memref_slice %arg4[%add3A_297, %dma_wait3A_300] : memref<320000x128xf32, #tpu.memory_space<hbm>> -> memref<40x128xf32, #tpu.memory_space<hbm>>
    tpu.wait_dma2 semaphore(%arg20 : memref<!tpu.dma_semaphore, #tpu.memory_space<semaphore_mem>>) src(%arg9 : memref<40x128xf32, #tpu.memory_space<vmem>>) dst(%dma_wait3A_301 : memref<40x128xf32, #tpu.memory_space<hbm>>)
    %dma_start3A_302 = arith.constant 9880 : i32
    %dma_start3A_303 = tpu.memref_slice %arg5[%dma_start3A_302] : memref<10000xi32, #tpu.memory_space<vmem>> -> memref<40xi32, #tpu.memory_space<vmem>>
    %dma_start3A_304 = arith.constant 0 : i32
    %dma_start3A_305 = arith.constant 0 : i32
    %dma_start3A_306 = tpu.memref_slice %arg14[%dma_start3A_304, %dma_start3A_305] : memref<10000x128xf32, #tpu.memory_space<vmem_shared>> -> memref<10000x128xf32, #tpu.memory_space<vmem_shared>>
    tpu.enqueue_indirect_dma source(%dma_start3A_306 : memref<10000x128xf32, #tpu.memory_space<vmem_shared>>) target(%arg13 : memref<40x128xf32, #tpu.memory_space<vmem>>) offsets(%dma_start3A_303 : memref<40xi32, #tpu.memory_space<vmem>>) semaphore(%arg15 : memref<!tpu.dma_semaphore, #tpu.memory_space<semaphore_mem>>)
    %dma_wait3A_307 = arith.constant 0 : i32
    %dma_wait3A_308 = tpu.memref_slice %arg5[%dma_wait3A_307] : memref<10000xi32, #tpu.memory_space<vmem>> -> memref<40xi32, #tpu.memory_space<vmem>>
    %dma_wait3A_309 = arith.constant 0 : i32
    %dma_wait3A_310 = arith.constant 0 : i32
    %dma_wait3A_311 = tpu.memref_slice %arg14[%dma_wait3A_309, %dma_wait3A_310] : memref<10000x128xf32, #tpu.memory_space<vmem_shared>> -> memref<10000x128xf32, #tpu.memory_space<vmem_shared>>
    tpu.wait_indirect_dma semaphore(%arg15 : memref<!tpu.dma_semaphore, #tpu.memory_space<semaphore_mem>>) src(%dma_wait3A_311 : memref<10000x128xf32, #tpu.memory_space<vmem_shared>>) dst(%arg11 : memref<40x128xf32, #tpu.memory_space<vmem>>)
    %add3A_312 = arith.constant 9800 : i32
    %add3A_313 = arith.addi %mul3A_2, %add3A_312 : i32
    %dma_start3A_314 = arith.constant 0 : i32
    %dma_start3A_315 = tpu.memref_slice %arg4[%add3A_313, %dma_start3A_314] : memref<320000x128xf32, #tpu.memory_space<hbm>> -> memref<40x128xf32, #tpu.memory_space<hbm>>
    %dma_start3A_316 = arith.constant 0 : i32
    %dma_start3A_317 = tpu.memref_slice %arg4[%add3A_313, %dma_start3A_316] : memref<320000x128xf32, #tpu.memory_space<hbm>> -> memref<40x128xf32, #tpu.memory_space<hbm>>
    tpu.enqueue_dma source(%arg11 : memref<40x128xf32, #tpu.memory_space<vmem>>) target(%dma_start3A_317 : memref<40x128xf32, #tpu.memory_space<hbm>>) target_semaphore(%arg22 : memref<!tpu.dma_semaphore, #tpu.memory_space<semaphore_mem>>)
    %add3A_318 = arith.constant 9760 : i32
    %add3A_319 = arith.addi %mul3A_2, %add3A_318 : i32
    %dma_wait3A_320 = arith.constant 0 : i32
    %dma_wait3A_321 = tpu.memref_slice %arg4[%add3A_319, %dma_wait3A_320] : memref<320000x128xf32, #tpu.memory_space<hbm>> -> memref<40x128xf32, #tpu.memory_space<hbm>>
    %dma_wait3A_322 = arith.constant 0 : i32
    %dma_wait3A_323 = tpu.memref_slice %arg4[%add3A_319, %dma_wait3A_322] : memref<320000x128xf32, #tpu.memory_space<hbm>> -> memref<40x128xf32, #tpu.memory_space<hbm>>
    tpu.wait_dma2 semaphore(%arg21 : memref<!tpu.dma_semaphore, #tpu.memory_space<semaphore_mem>>) src(%arg10 : memref<40x128xf32, #tpu.memory_space<vmem>>) dst(%dma_wait3A_323 : memref<40x128xf32, #tpu.memory_space<hbm>>)
    %dma_start3A_324 = arith.constant 9920 : i32
    %dma_start3A_325 = tpu.memref_slice %arg5[%dma_start3A_324] : memref<10000xi32, #tpu.memory_space<vmem>> -> memref<40xi32, #tpu.memory_space<vmem>>
    %dma_start3A_326 = arith.constant 0 : i32
    %dma_start3A_327 = arith.constant 0 : i32
    %dma_start3A_328 = tpu.memref_slice %arg14[%dma_start3A_326, %dma_start3A_327] : memref<10000x128xf32, #tpu.memory_space<vmem_shared>> -> memref<10000x128xf32, #tpu.memory_space<vmem_shared>>
    tpu.enqueue_indirect_dma source(%dma_start3A_328 : memref<10000x128xf32, #tpu.memory_space<vmem_shared>>) target(%arg6 : memref<40x128xf32, #tpu.memory_space<vmem>>) offsets(%dma_start3A_325 : memref<40xi32, #tpu.memory_space<vmem>>) semaphore(%arg15 : memref<!tpu.dma_semaphore, #tpu.memory_space<semaphore_mem>>)
    %dma_wait3A_329 = arith.constant 0 : i32
    %dma_wait3A_330 = tpu.memref_slice %arg5[%dma_wait3A_329] : memref<10000xi32, #tpu.memory_space<vmem>> -> memref<40xi32, #tpu.memory_space<vmem>>
    %dma_wait3A_331 = arith.constant 0 : i32
    %dma_wait3A_332 = arith.constant 0 : i32
    %dma_wait3A_333 = tpu.memref_slice %arg14[%dma_wait3A_331, %dma_wait3A_332] : memref<10000x128xf32, #tpu.memory_space<vmem_shared>> -> memref<10000x128xf32, #tpu.memory_space<vmem_shared>>
    tpu.wait_indirect_dma semaphore(%arg15 : memref<!tpu.dma_semaphore, #tpu.memory_space<semaphore_mem>>) src(%dma_wait3A_333 : memref<10000x128xf32, #tpu.memory_space<vmem_shared>>) dst(%arg12 : memref<40x128xf32, #tpu.memory_space<vmem>>)
    %add3A_334 = arith.constant 9840 : i32
    %add3A_335 = arith.addi %mul3A_2, %add3A_334 : i32
    %dma_start3A_336 = arith.constant 0 : i32
    %dma_start3A_337 = tpu.memref_slice %arg4[%add3A_335, %dma_start3A_336] : memref<320000x128xf32, #tpu.memory_space<hbm>> -> memref<40x128xf32, #tpu.memory_space<hbm>>
    %dma_start3A_338 = arith.constant 0 : i32
    %dma_start3A_339 = tpu.memref_slice %arg4[%add3A_335, %dma_start3A_338] : memref<320000x128xf32, #tpu.memory_space<hbm>> -> memref<40x128xf32, #tpu.memory_space<hbm>>
    tpu.enqueue_dma source(%arg12 : memref<40x128xf32, #tpu.memory_space<vmem>>) target(%dma_start3A_339 : memref<40x128xf32, #tpu.memory_space<hbm>>) target_semaphore(%arg23 : memref<!tpu.dma_semaphore, #tpu.memory_space<semaphore_mem>>)
    %add3A_340 = arith.constant 9800 : i32
    %add3A_341 = arith.addi %mul3A_2, %add3A_340 : i32
    %dma_wait3A_342 = arith.constant 0 : i32
    %dma_wait3A_343 = tpu.memref_slice %arg4[%add3A_341, %dma_wait3A_342] : memref<320000x128xf32, #tpu.memory_space<hbm>> -> memref<40x128xf32, #tpu.memory_space<hbm>>
    %dma_wait3A_344 = arith.constant 0 : i32
    %dma_wait3A_345 = tpu.memref_slice %arg4[%add3A_341, %dma_wait3A_344] : memref<320000x128xf32, #tpu.memory_space<hbm>> -> memref<40x128xf32, #tpu.memory_space<hbm>>
    tpu.wait_dma2 semaphore(%arg22 : memref<!tpu.dma_semaphore, #tpu.memory_space<semaphore_mem>>) src(%arg11 : memref<40x128xf32, #tpu.memory_space<vmem>>) dst(%dma_wait3A_345 : memref<40x128xf32, #tpu.memory_space<hbm>>)
    %dma_start3A_346 = arith.constant 9960 : i32
    %dma_start3A_347 = tpu.memref_slice %arg5[%dma_start3A_346] : memref<10000xi32, #tpu.memory_space<vmem>> -> memref<40xi32, #tpu.memory_space<vmem>>
    %dma_start3A_348 = arith.constant 0 : i32
    %dma_start3A_349 = arith.constant 0 : i32
    %dma_start3A_350 = tpu.memref_slice %arg14[%dma_start3A_348, %dma_start3A_349] : memref<10000x128xf32, #tpu.memory_space<vmem_shared>> -> memref<10000x128xf32, #tpu.memory_space<vmem_shared>>
    tpu.enqueue_indirect_dma source(%dma_start3A_350 : memref<10000x128xf32, #tpu.memory_space<vmem_shared>>) target(%arg7 : memref<40x128xf32, #tpu.memory_space<vmem>>) offsets(%dma_start3A_347 : memref<40xi32, #tpu.memory_space<vmem>>) semaphore(%arg15 : memref<!tpu.dma_semaphore, #tpu.memory_space<semaphore_mem>>)
    %dma_wait3A_351 = arith.constant 0 : i32
    %dma_wait3A_352 = tpu.memref_slice %arg5[%dma_wait3A_351] : memref<10000xi32, #tpu.memory_space<vmem>> -> memref<40xi32, #tpu.memory_space<vmem>>
    %dma_wait3A_353 = arith.constant 0 : i32
    %dma_wait3A_354 = arith.constant 0 : i32
    %dma_wait3A_355 = tpu.memref_slice %arg14[%dma_wait3A_353, %dma_wait3A_354] : memref<10000x128xf32, #tpu.memory_space<vmem_shared>> -> memref<10000x128xf32, #tpu.memory_space<vmem_shared>>
    tpu.wait_indirect_dma semaphore(%arg15 : memref<!tpu.dma_semaphore, #tpu.memory_space<semaphore_mem>>) src(%dma_wait3A_355 : memref<10000x128xf32, #tpu.memory_space<vmem_shared>>) dst(%arg13 : memref<40x128xf32, #tpu.memory_space<vmem>>)
    %add3A_356 = arith.constant 9880 : i32
    %add3A_357 = arith.addi %mul3A_2, %add3A_356 : i32
    %dma_start3A_358 = arith.constant 0 : i32
    %dma_start3A_359 = tpu.memref_slice %arg4[%add3A_357, %dma_start3A_358] : memref<320000x128xf32, #tpu.memory_space<hbm>> -> memref<40x128xf32, #tpu.memory_space<hbm>>
    %dma_start3A_360 = arith.constant 0 : i32
    %dma_start3A_361 = tpu.memref_slice %arg4[%add3A_357, %dma_start3A_360] : memref<320000x128xf32, #tpu.memory_space<hbm>> -> memref<40x128xf32, #tpu.memory_space<hbm>>
    tpu.enqueue_dma source(%arg13 : memref<40x128xf32, #tpu.memory_space<vmem>>) target(%dma_start3A_361 : memref<40x128xf32, #tpu.memory_space<hbm>>) target_semaphore(%arg24 : memref<!tpu.dma_semaphore, #tpu.memory_space<semaphore_mem>>)
    %add3A_362 = arith.constant 9840 : i32
    %add3A_363 = arith.addi %mul3A_2, %add3A_362 : i32
    %dma_wait3A_364 = arith.constant 0 : i32
    %dma_wait3A_365 = tpu.memref_slice %arg4[%add3A_363, %dma_wait3A_364] : memref<320000x128xf32, #tpu.memory_space<hbm>> -> memref<40x128xf32, #tpu.memory_space<hbm>>
    %dma_wait3A_366 = arith.constant 0 : i32
    %dma_wait3A_367 = tpu.memref_slice %arg4[%add3A_363, %dma_wait3A_366] : memref<320000x128xf32, #tpu.memory_space<hbm>> -> memref<40x128xf32, #tpu.memory_space<hbm>>
    tpu.wait_dma2 semaphore(%arg23 : memref<!tpu.dma_semaphore, #tpu.memory_space<semaphore_mem>>) src(%arg12 : memref<40x128xf32, #tpu.memory_space<vmem>>) dst(%dma_wait3A_367 : memref<40x128xf32, #tpu.memory_space<hbm>>)
    %dma_wait3A_368 = arith.constant 0 : i32
    %dma_wait3A_369 = tpu.memref_slice %arg5[%dma_wait3A_368] : memref<10000xi32, #tpu.memory_space<vmem>> -> memref<40xi32, #tpu.memory_space<vmem>>
    %dma_wait3A_370 = arith.constant 0 : i32
    %dma_wait3A_371 = arith.constant 0 : i32
    %dma_wait3A_372 = tpu.memref_slice %arg14[%dma_wait3A_370, %dma_wait3A_371] : memref<10000x128xf32, #tpu.memory_space<vmem_shared>> -> memref<10000x128xf32, #tpu.memory_space<vmem_shared>>
    tpu.wait_indirect_dma semaphore(%arg15 : memref<!tpu.dma_semaphore, #tpu.memory_space<semaphore_mem>>) src(%dma_wait3A_372 : memref<10000x128xf32, #tpu.memory_space<vmem_shared>>) dst(%arg6 : memref<40x128xf32, #tpu.memory_space<vmem>>)
    %add3A_373 = arith.constant 9920 : i32
    %add3A_374 = arith.addi %mul3A_2, %add3A_373 : i32
    %dma_start3A_375 = arith.constant 0 : i32
    %dma_start3A_376 = tpu.memref_slice %arg4[%add3A_374, %dma_start3A_375] : memref<320000x128xf32, #tpu.memory_space<hbm>> -> memref<40x128xf32, #tpu.memory_space<hbm>>
    %dma_start3A_377 = arith.constant 0 : i32
    %dma_start3A_378 = tpu.memref_slice %arg4[%add3A_374, %dma_start3A_377] : memref<320000x128xf32, #tpu.memory_space<hbm>> -> memref<40x128xf32, #tpu.memory_space<hbm>>
    tpu.enqueue_dma source(%arg6 : memref<40x128xf32, #tpu.memory_space<vmem>>) target(%dma_start3A_378 : memref<40x128xf32, #tpu.memory_space<hbm>>) target_semaphore(%arg17 : memref<!tpu.dma_semaphore, #tpu.memory_space<semaphore_mem>>)
    %add3A_379 = arith.constant 9880 : i32
    %add3A_380 = arith.addi %mul3A_2, %add3A_379 : i32
    %dma_wait3A_381 = arith.constant 0 : i32
    %dma_wait3A_382 = tpu.memref_slice %arg4[%add3A_380, %dma_wait3A_381] : memref<320000x128xf32, #tpu.memory_space<hbm>> -> memref<40x128xf32, #tpu.memory_space<hbm>>
    %dma_wait3A_383 = arith.constant 0 : i32
    %dma_wait3A_384 = tpu.memref_slice %arg4[%add3A_380, %dma_wait3A_383] : memref<320000x128xf32, #tpu.memory_space<hbm>> -> memref<40x128xf32, #tpu.memory_space<hbm>>
    tpu.wait_dma2 semaphore(%arg24 : memref<!tpu.dma_semaphore, #tpu.memory_space<semaphore_mem>>) src(%arg13 : memref<40x128xf32, #tpu.memory_space<vmem>>) dst(%dma_wait3A_384 : memref<40x128xf32, #tpu.memory_space<hbm>>)
    %dma_wait3A_385 = arith.constant 0 : i32
    %dma_wait3A_386 = tpu.memref_slice %arg5[%dma_wait3A_385] : memref<10000xi32, #tpu.memory_space<vmem>> -> memref<40xi32, #tpu.memory_space<vmem>>
    %dma_wait3A_387 = arith.constant 0 : i32
    %dma_wait3A_388 = arith.constant 0 : i32
    %dma_wait3A_389 = tpu.memref_slice %arg14[%dma_wait3A_387, %dma_wait3A_388] : memref<10000x128xf32, #tpu.memory_space<vmem_shared>> -> memref<10000x128xf32, #tpu.memory_space<vmem_shared>>
    tpu.wait_indirect_dma semaphore(%arg15 : memref<!tpu.dma_semaphore, #tpu.memory_space<semaphore_mem>>) src(%dma_wait3A_389 : memref<10000x128xf32, #tpu.memory_space<vmem_shared>>) dst(%arg7 : memref<40x128xf32, #tpu.memory_space<vmem>>)
    %add3A_390 = arith.constant 9960 : i32
    %add3A_391 = arith.addi %mul3A_2, %add3A_390 : i32
    %dma_start3A_392 = arith.constant 0 : i32
    %dma_start3A_393 = tpu.memref_slice %arg4[%add3A_391, %dma_start3A_392] : memref<320000x128xf32, #tpu.memory_space<hbm>> -> memref<40x128xf32, #tpu.memory_space<hbm>>
    %dma_start3A_394 = arith.constant 0 : i32
    %dma_start3A_395 = tpu.memref_slice %arg4[%add3A_391, %dma_start3A_394] : memref<320000x128xf32, #tpu.memory_space<hbm>> -> memref<40x128xf32, #tpu.memory_space<hbm>>
    tpu.enqueue_dma source(%arg7 : memref<40x128xf32, #tpu.memory_space<vmem>>) target(%dma_start3A_395 : memref<40x128xf32, #tpu.memory_space<hbm>>) target_semaphore(%arg18 : memref<!tpu.dma_semaphore, #tpu.memory_space<semaphore_mem>>)
    %add3A_396 = arith.constant 9920 : i32
    %add3A_397 = arith.addi %mul3A_2, %add3A_396 : i32
    %dma_wait3A_398 = arith.constant 0 : i32
    %dma_wait3A_399 = tpu.memref_slice %arg4[%add3A_397, %dma_wait3A_398] : memref<320000x128xf32, #tpu.memory_space<hbm>> -> memref<40x128xf32, #tpu.memory_space<hbm>>
    %dma_wait3A_400 = arith.constant 0 : i32
    %dma_wait3A_401 = tpu.memref_slice %arg4[%add3A_397, %dma_wait3A_400] : memref<320000x128xf32, #tpu.memory_space<hbm>> -> memref<40x128xf32, #tpu.memory_space<hbm>>
    tpu.wait_dma2 semaphore(%arg17 : memref<!tpu.dma_semaphore, #tpu.memory_space<semaphore_mem>>) src(%arg6 : memref<40x128xf32, #tpu.memory_space<vmem>>) dst(%dma_wait3A_401 : memref<40x128xf32, #tpu.memory_space<hbm>>)
    %add3A_402 = arith.constant 9960 : i32
    %add3A_403 = arith.addi %mul3A_2, %add3A_402 : i32
    %dma_wait3A_404 = arith.constant 0 : i32
    %dma_wait3A_405 = tpu.memref_slice %arg4[%add3A_403, %dma_wait3A_404] : memref<320000x128xf32, #tpu.memory_space<hbm>> -> memref<40x128xf32, #tpu.memory_space<hbm>>
    %dma_wait3A_406 = arith.constant 0 : i32
    %dma_wait3A_407 = tpu.memref_slice %arg4[%add3A_403, %dma_wait3A_406] : memref<320000x128xf32, #tpu.memory_space<hbm>> -> memref<40x128xf32, #tpu.memory_space<hbm>>
    tpu.wait_dma2 semaphore(%arg18 : memref<!tpu.dma_semaphore, #tpu.memory_space<semaphore_mem>>) src(%arg7 : memref<40x128xf32, #tpu.memory_space<vmem>>) dst(%dma_wait3A_407 : memref<40x128xf32, #tpu.memory_space<hbm>>)
    return
  }
}

</mosaic_0001>

<sc_bundles>
// kernel: kernel.3.cloned.1.call-start
scs
__scs_entry_jumppad:
0x0: {  	(pc) =	sbr.rel $0x88, $3  }
0x1: {  	(tag) =	ssettag $0x0;
	lr =	simm.s32 $0x1  }
0x2: {  	[smem:$0x3F9F] =	sst lr;
	_ =	strace $0xD0000000  }
0x3: {  	_ = 	snop  }
0x4: {  	_ = 	snop  }
0x5: {  	_ = 	snop  }
0x6: {  	_ = 	snop  }
0x7: {  	_ = 	snop  }
__scs_overlays_trampoline_lowered:
0x8: {  	[smem:$0x3FAE] =	sst s0  }
0x9: {  	[smem:$0x3FAF] =	sst s1  }
0xa: {  	[smem:$0x3FB0] =	sst s2  }
0xb: {  	[smem:$0x3FB1] =	sst s3  }
0xc: {  	[smem:$0x3FB2] =	sst s4  }
0xd: {  	[smem:$0x3FB3] =	sst s5  }
0xe: {  	[smem:$0x3FB4] =	sst s6  }
0xf: {  	[smem:$0x3FB5] =	sst s7  }
0x10: {  	[smem:$0x3FB6] =	sst s8  }
0x11: {  	[smem:$0x3FB7] =	sst s9;
	s0 =	simm.s32 @!p0 $0x0  }
0x12: {  	s1 =	sld [smem:$0x3F9D];
	s0 =	simm.s32 @p0 $0x1  }
0x13: {  	[smem:$0x3FB8] =	sst s0;
	s0 =	simm.s32 @!p1 $0x0  }
0x14: {  	s2 =	sld [smem:$0x3F9C];
	s0 =	simm.s32 @p1 $0x1  }
0x15: {  	[smem:$0x3FB9] =	sst s0;
	s0 =	simm.s32 @!p2 $0x0  }
0x16: {  	s3 =	sld [smem:$0x3FDB];
	s0 =	simm.s32 @p2 $0x1  }
0x17: {  	s4 =	simm.s32 $0x1BF5;
	[smem:$0x3FBB] =	sst s0  }
0x18: {  	s0 =	sld [smem:$0x3F9E];
	_ =	swait.ge [sflag:s4], $0x0  }
0x19: {  	s7 =	sld [smem:$0x3F9F]  }
0x1a: {  	s8 =	sadd.s32 $0xFFFFE003, lr  }
0x1b: {  	s9 =	sadd.s32 $0xFFFFFEF7, lr;
	s5 =	simm.s32 $0xFFFFFFFF;
	p2 =	slt.u32 s8, $0xFFFFF086  }
0x1c: {  	p1 =	slt.u32 s9, $0xF7A;
	s5 =	simm.s32 @!p2 $0x0  }
0x1d: {  	s5 =	simm.s32 @p1 $0x1;
	p0 =	seq.s32 s7, s2  }
0x1e: {  	s7 =	smul.u32 @!p0 $0xF7A, s2;
	p2 =	seq.s32 @!p0 s5, $0x0  }
0x1f: {  	s9 =	smul.u32 $0xF7A, s1;
	s8 =	simm.s32 @!p0 $0x1BF5;
	p2 =	por !p2, p0  }
0x20: {  	[sflag:s8] =	ssyncset.s32 @!p0 $0xFFFFF086;
	s6 =	sadd.s32 @!p0 s3, s7;
	s7 =	simm.s32 @!p0 $0x108  }
0x21: {  	s3 =	sadd.s32 s3, s9;
	s6 =	sadd.s32 @!p0 $0x88, s6;
	s7 =	simm.s32 @p2 $0x1082  }
0x22: {  	[simem:s7], [sflag:s8] =	dma.local @!p0 [hbm:s6], $0xF7A  }
0x23: {  	s9 =	sor.u32 $0xD0000000, s2;
	s6 =	simm.s32 $0x108;
	_ =	swait.ge @!p0 [sflag:s8], $0x0  }
0x24: {  	s3 =	sadd.s32 $0x88, s3;
	s6 =	simm.s32 @!p1 $0x1082;
	[sflag:s4] =	ssyncset.s32 $0xFFFFF086  }
0x25: {  	[simem:s6], [sflag:s4] =	dma.local [hbm:s3], $0xF7A  }
0x26: {  	[smem:$0x3F9F] =	sst s1;
	(tag) =	ssettag s2;
	_ =	strace s9  }
0x27: {  	s1 =	sld [smem:$0x3FAF]  }
0x28: {  	s2 =	sld [smem:$0x3FB0]  }
0x29: {  	s4 =	sld [smem:$0x3FB2]  }
0x2a: {  	p0 =	seq.s32 s5, $0x0;
	s5 =	sld [smem:$0x3FB3]  }
0x2b: {  	s6 =	sld [smem:$0x3FB4]  }
0x2c: {  	s7 =	sld [smem:$0x3FB5]  }
0x2d: {  	s3 =	simm.s32 $0x108;
	s8 =	sld [smem:$0x3FB6]  }
0x2e: {  	s3 =	simm.s32 @!p0 $0x1082;
	s9 =	sld [smem:$0x3FB7]  }
0x2f: {  	lr =	sadd.s32 s0, s3;
	s0 =	sld [smem:$0x3FAE]  }
0x30: {  	s3 =	sld [smem:$0x3FB1]  }
0x31: {  	[smem:$0x3FBA] =	sst s10  }
0x32: {  	s10 =	sld [smem:$0x3FB8];
	_ =	sdelay $0x3  }
0x33: {  	p0 =	seq.s32 s10, $0x1;
	s10 =	sld [smem:$0x3FBA];
	_ =	sdelay $0x3  }
0x34: {  	[smem:$0x3FBA] =	sst s10  }
0x35: {  	s10 =	sld [smem:$0x3FB9];
	_ =	sdelay $0x3  }
0x36: {  	p1 =	seq.s32 s10, $0x1;
	s10 =	sld [smem:$0x3FBA];
	_ =	sdelay $0x3  }
0x37: {  	[smem:$0x3FBA] =	sst s10  }
0x38: {  	s10 =	sld [smem:$0x3FBB]  }
0x39: {  	_ = 	snop;
	(pc) =	sbr.ind lr, $3  }
0x3a: {  	_ = 	snop  }
0x3b: {  	_ = 	snop  }
0x3c: {  	p2 =	seq.s32 s10, $0x1;
	s10 =	sld [smem:$0x3FBA]  }
0x3d: {  	_ =	shalt  }
0x3e: {  	_ =	shalt  }
0x3f: {  	_ =	shalt  }
0x40: {  	_ =	shalt  }
0x41: {  	_ =	shalt  }
0x42: {  	_ =	shalt  }
0x43: {  	_ =	shalt  }
0x44: {  	_ =	shalt  }
0x45: {  	_ =	shalt  }
0x46: {  	_ =	shalt  }
0x47: {  	_ =	shalt  }
0x48: {  	_ =	shalt  }
0x49: {  	_ =	shalt  }
0x4a: {  	_ =	shalt  }
0x4b: {  	_ =	shalt  }
0x4c: {  	_ =	shalt  }
0x4d: {  	_ =	shalt  }
0x4e: {  	_ =	shalt  }
0x4f: {  	_ =	shalt  }
0x50: {  	_ =	shalt  }
0x51: {  	_ =	shalt  }
0x52: {  	_ =	shalt  }
0x53: {  	_ =	shalt  }
0x54: {  	_ =	shalt  }
0x55: {  	_ =	shalt  }
0x56: {  	_ =	shalt  }
0x57: {  	_ =	shalt  }
0x58: {  	_ =	shalt  }
0x59: {  	_ =	shalt  }
0x5a: {  	_ =	shalt  }
0x5b: {  	_ =	shalt  }
0x5c: {  	_ =	shalt  }
0x5d: {  	_ =	shalt  }
0x5e: {  	_ =	shalt  }
0x5f: {  	_ =	shalt  }
0x60: {  	_ =	shalt  }
0x61: {  	_ =	shalt  }
0x62: {  	_ =	shalt  }
0x63: {  	_ =	shalt  }
0x64: {  	_ =	shalt  }
0x65: {  	_ =	shalt  }
0x66: {  	_ =	shalt  }
0x67: {  	_ =	shalt  }
0x68: {  	_ =	shalt  }
0x69: {  	_ =	shalt  }
0x6a: {  	_ =	shalt  }
0x6b: {  	_ =	shalt  }
0x6c: {  	_ =	shalt  }
0x6d: {  	_ =	shalt  }
0x6e: {  	_ =	shalt  }
0x6f: {  	_ =	shalt  }
0x70: {  	_ =	shalt  }
0x71: {  	_ =	shalt  }
0x72: {  	_ =	shalt  }
0x73: {  	_ =	shalt  }
0x74: {  	_ =	shalt  }
0x75: {  	_ =	shalt  }
0x76: {  	_ =	shalt  }
0x77: {  	_ =	shalt  }
0x78: {  	_ =	shalt  }
0x79: {  	_ =	shalt  }
0x7a: {  	_ =	shalt  }
0x7b: {  	_ =	shalt  }
0x7c: {  	_ =	shalt  }
0x7d: {  	_ =	shalt  }
0x7e: {  	_ =	shalt  }
0x7f: {  	_ =	shalt  }
0x80: {  	_ =	shalt  }
0x81: {  	_ =	shalt  }
0x82: {  	_ =	shalt  }
0x83: {  	_ =	shalt  }
0x84: {  	_ =	shalt  }
0x85: {  	_ =	shalt  }
0x86: {  	_ =	shalt  }
0x87: {  	_ =	shalt  }
.Lfunc_end0:
.L_simem_size_0:
called_computation_lowered:
.L_overlay_start_0:
0x88: {  	s2 =	sld [smem:$0x3FD9]  }
0x89: {  	s3 =	sld [smem:$0x3FFE];
	_ =	sdelay $0x1  }
0x8a: {  	s1 =	srdreg.scid  }
0x8b: {  	s0 =	sand.u32 $0x1, s1  }
0x8c: {  	s17 =	sshll.u32 s0, $0xA;
	s2 =	sadd.s32 s3, s2  }
0x8d: {  	s2 =	sadd.s32 s2, s17  }
0x8e: {  	[smem:$0x3FC6] =	sst s2  }
0x8f: {  	_ = 	snop  }
0x90: {  	s2 =	sld [smem:$0x3FC9]  }
0x91: {  	s18 =	sld [smem:$0x3FD0];
	(tm) =	ssettm $0x1  }
0x92: {  	s4 =	sld [smem:$0x3FFB];
	_ =	sdelay $0x3  }
0x93: {  	_ =	strace s4  }
0x94: {  	s4 =	sld [smem:$0x3FFC];
	_ =	sdelay $0x3  }
0x95: {  	_ =	strace s4  }
0x96: {  	s4 =	sld [smem:$0x3FFD];
	_ =	sdelay $0x3  }
0x97: {  	_ =	strace s4  }
0x98: {  	_ =	strace $0x8FFFFFFF  }
0x99: {  	s19 =	sld [smem:$0x3FDB];
	_ =	sdelay $0x1  }
0x9a: {  	s5 =	simm.s32 $_scs_section_size  }
0x9b: {  	s6 =	simm.s32 $_size__tile_overlayer_lowered;
	s7 =	simm.s32 $_tile_overlayer_lowered  }
0x9c: {  	s22 =	simm.s32 $0x1BFF;
	s21 =	sshll.u32 s7, $0x1;
	s4 =	sadd.s32 s5, s19  }
0x9d: {  	s8 =	simm.s32 $0x0;
	s20 =	sshll.u32 s6, $0x1;
	s6 =	sadd.s32 s21, s4  }
0x9e: {  	[timem:s8], [sflag:s22] =	dma.local [hbm:s6], s20  }
0x9f: {  	_ =	swait.ge [sflag:s22], s20  }
0xa0: {  	s5 =	ssub.s32 $0x0, s20;
	[sflag:s22] =	ssyncset.done $0x0  }
0xa1: {  	[sflag:s22] =	ssyncadd.s32 s5;
	_ =	sdelay $0x1  }
0xa2: {  	s23 =	simm.s32 $0x1B8B  }
0xa3: {  	_ =	swait.ge [sflag:s23], $0x1  }
0xa4: {  	[sflag:s23] =	ssyncset.done $0x0  }
0xa5: {  	s25 =	simm.s32 $0x1B8E;
	s24 =	sld [smem:$0x3FFE];
	[sflag:s23] =	ssyncadd.s32 $0xFFFFFFFF  }
0xa6: {  	s26 =	simm.s32 $execute0_lowered;
	[smem:$0x3FD2] =	sst s25  }
0xa7: {  	s6 =	sshll.u32 s26, $0x1;
	_ =	strace $0x80000046;
	[dreg:$0x1] =	wrdreg $0xFFFFFFFF  }
0xa8: {  	s28 =	simm.s32 $_size_execute0_lowered;
	s4 =	sadd.s32 s4, s6;
	[dreg:$0x0] =	wrdreg $0x0  }
0xa9: {  	s6 =	sshll.u32 s28, $0x1;
	[dreg:$0x2] =	wrdreg s4  }
0xaa: {  	[dreg:$0x3] =	wrdreg s6  }
0xab: {  	[dreg:$0x4] =	wrdreg $0xC0  }
0xac: {  	_ =	task [dreg:s8], $0x5FFFF  }
0xad: {  	[dreg:$0x1] =	wrdreg $0xFFFFFFFF  }
0xae: {  	[dreg:$0x0] =	wrdreg $0x60  }
0xaf: {  	[dreg:$0x2] =	wrdreg s2  }
0xb0: {  	[dreg:$0x3] =	wrdreg s24  }
0xb1: {  	[dreg:$0x4] =	wrdreg s18  }
0xb2: {  	[dreg:$0x5] =	wrdreg $0xC7800  }
0xb3: {  	[dreg:$0x6] =	wrdreg $0x9  }
0xb4: {  	_ =	task.clear_ibuf [dreg:s8], $0x7FFFF;
	_ =	strace $0x90000046  }
0xb5: {  	s29 =	simm.s32 $0x9;
	_ =	strace $0x80000048  }
0xb6: {  	_ =	swait.ge [sflag:s29], $0x1  }
0xb7: {  	[sflag:s29] =	ssyncadd.s32 $0xFFFFFFFF  }
0xb8: {  	_ =	strace $0x90000048  }
0xb9: {  	_ =	sfence  }
0xba: {  	s30 =	sld [smem:$0x0];
	_ =	sdelay $0x2  }
0xbb: {  	s31 =	sshll.u32 s1, $0xD;
	s1 =	sshrl.u32 s1, $0x2  }
0xbc: {  	s3 =	sand.u32 $0x4000, s31;
	s1 =	sadd.s32 s1, s30  }
0xbd: {  	s0 =	sor.u32 s3, s0;
	s1 =	sshll.u32 s1, $0x11  }
0xbe: {  	s0 =	sor.u32 s1, s0  }
0xbf: {  	s0 =	sadd.s32 $0x8F2B, s0  }
0xc0: {  	[sflag:s0] =	ssyncadd.remote.s32 $0x1  }
0xc1: {  	_ =	sfence.sel $0xFFFF  }
0xc2: {  	[dreg:$0x0] =	wrdreg $0xFFFFFFFF;
	(pc) =	sbr.abs _section_cstart, $3  }
0xc3: {  	[dreg:$0x1] =	wrdreg $0xFFFFFFFF  }
0xc4: {  	_ =	task.clear_ibuf [dreg:s8], $0x2FFFF;
	_ =	strace $0x9FFFFFFF  }
0xc5: {  	(tm) =	ssettm $0x7FFFFFFF  }
tec
execute0_lowered:
.L_overlay_start_1:
0x0: {  	(tag) =	ssettag $0x1  }
0x1: {  	s0 =	rddreg [dreg:$0x0]  }
0x2: {  	s1 =	rddreg [dreg:$0x1]  }
0x3: {  	s4 =	rddreg [dreg:$0x2]  }
0x4: {  	s5 =	srdreg.scid;
	s13 =	stileid.u32  }
0x5: {  	s2 =	rddreg [dreg:$0x3];
	s6 =	sand.u32 $0x1, s5;
	s21 =	sshll.u32 s13, $0x1  }
0x6: {  	s3 =	simm.s32 $0x0;
	s23 =	smul.u32 $0x2700, s13;
	s8 =	sor.u32 s6, s21  }
0x7: {  	[smem:$0x7FF] =	sst s3;
	s7 =	ssub.s32 $0x2, s6;
	s10 =	smul.u32 $0x2710, s8  }
0x8: {  	_ =	strace $0x80000047;
	s9 =	sshrl.u32 s7, $0x1;
	s12 =	smul.u32 $0x138800, s8  }
0x9: {  	s8 =	smul.u32 $0x27100, s8;
	s7 =	ssub.s32 s7, s9;
	s9 =	sadd.s32 s0, s23  }
0xa: {  	s0 =	sadd.s32 $0x27000, s0;
	[dreg:$0x5] =	wrdreg s9;
	s25 =	sshrl.u32 s10, $0x3  }
0xb: {  	[dreg:$0x6] =	wrdreg s0;
	s26 =	sshrl.u32 s12, $0x3;
	s0 =	sadd.s32 s1, s25  }
0xc: {  	s1 =	sadd.s32 s4, s8;
	[dreg:$0x7] =	wrdreg s0;
	s0 =	sadd.s32 s4, s26  }
0xd: {  	[dreg:$0x8] =	wrdreg s1;
	s8 =	sadd.s32 $0x280, s0  }
0xe: {  	s9 =	sadd.s32 $0x500, s0;
	[dreg:$0x9] =	wrdreg s8  }
0xf: {  	s31 =	simm.s32 $0xA;
	s10 =	sadd.s32 $0x780, s0;
	[dreg:$0xa] =	wrdreg s9  }
0x10: {  	s22 =	smul.u32 $0x4E000, s13;
	s12 =	sadd.s32 $0xA00, s0;
	[dreg:$0xb] =	wrdreg s10  }
0x11: {  	s24 =	sshll.u32 s13, $0x6;
	s14 =	sadd.s32 $0xC80, s0;
	[dreg:$0xc] =	wrdreg s12  }
0x12: {  	s18 =	smul.u32 $0x4E200, s13;
	s15 =	sadd.s32 $0xF00, s0;
	[dreg:$0xd] =	wrdreg s14  }
0x13: {  	p0 =	sne.s32 s13, $0xF;
	s16 =	sadd.s32 $0x1180, s0;
	[dreg:$0xe] =	wrdreg s15  }
0x14: {  	s13 =	simm.s32 $0x4;
	s17 =	sadd.s32 $0x25800, s0;
	[dreg:$0xf] =	wrdreg s16  }
0x15: {  	s6 =	smul.u32 $0x27100, s6;
	s19 =	sadd.s32 $0x25A80, s0;
	[dreg:$0x10] =	wrdreg s17  }
0x16: {  	s5 =	sshrl.u32 s22, $0x2;
	s20 =	sadd.s32 $0x25D00, s0;
	[dreg:$0x11] =	wrdreg s19  }
0x17: {  	s11 =	sadd.s32 s5, s2;
	s21 =	sadd.s32 $0x25F80, s0;
	[dreg:$0x12] =	wrdreg s20  }
0x18: {  	s5 =	sor.u32 $0x1C0A, s24;
	s22 =	sadd.s32 $0x26200, s0;
	[dreg:$0x13] =	wrdreg s21  }
0x19: {  	s29 =	sshrl.u32 s11, $0x3;
	s23 =	sadd.s32 $0x26480, s0;
	[dreg:$0x14] =	wrdreg s22  }
0x1a: {  	s11 =	simm.s32 $0x3;
	s24 =	sadd.s32 $0x26700, s0;
	[dreg:$0x15] =	wrdreg s23  }
0x1b: {  	s1 =	sadd.s32 s18, s4;
	s25 =	sadd.s32 $0x26980, s0;
	[dreg:$0x16] =	wrdreg s24  }
0x1c: {  	s4 =	simm.s32 $0x3B80;
	s26 =	sadd.s32 $0x26C00, s0;
	[dreg:$0x17] =	wrdreg s25  }
0x1d: {  	s18 =	simm.s32 $0x7;
	s0 =	sadd.s32 $0x26E80, s0;
	[dreg:$0x18] =	wrdreg s26  }
0x1e: {  	s1 =	sadd.s32 s6, s1;
	s6 =	simm.s32 $0x4F80;
	[dreg:$0x19] =	wrdreg s0  }
0x1f: {  	s26 =	smax.u32 s7, $0x1;
	s0 =	sadd.s32 $0x138000, s2;
	s28 =	sadd.s32 $0x2580, s1  }
0x20: {  	s1 =	simm.s32 $0x2780;
	s7 =	simm.s32 $0x1;
	s8 =	simm.s32 $0x6380  }
0x21: {  	s9 =	simm.s32 $0x2;
	s10 =	simm.s32 $0x7780;
	s12 =	simm.s32 $0x8B80  }
0x22: {  	s14 =	simm.s32 $0x9F80;
	s15 =	simm.s32 $0x5;
	s16 =	simm.s32 $0xB380  }
0x23: {  	s17 =	simm.s32 $0x6;
	s19 =	simm.s32 $0x8;
	s20 =	simm.s32 $0x9  }
0x24: {  	s21 =	simm.s32 $0x0;
	s30 =	sshrl.u32 @!p0 s0, $0x3;
	s0 =	simm.s32 $0x28  }
.LBB2_1:
0x25: {  	s22 =	rddreg [dreg:$0x5]  }
0x26: {  	[spmem:s29], [sflag:s5] =	dma.local [hbm:s22], $0x2700  }
0x27: {  	_ =	swait.ge [sflag:s31], $0x2700  }
0x28: {  	[sflag:s31] =	ssyncset.done $0x0  }
0x29: {  	s22 =	rddreg [dreg:$0x6];
	[sflag:s31] =	ssyncadd.s32 $0xFFFFD900  }
0x2a: {  	[spmem:s30], [sflag:s5] =	dma.local @!p0 [hbm:s22], $0x100  }
0x2b: {  	s22 =	simm.s32 @!p0 $0xA  }
0x2c: {  	_ =	swait.ge @!p0 [sflag:s22], $0x100  }
0x2d: {  	[sflag:s22] =	ssyncset.done @!p0 $0x0  }
0x2e: {  	s24 =	rddreg [dreg:$0x7];
	[sflag:s22] =	ssyncadd.s32 @!p0 $0xFFFFFF00  }
0x2f: {  	[tilespmem:s3], [sflag:$0xA] =	stream.linear.gather [hbm4b:s24+s3], $0x2710, $0x38;
	v63 =	vld [tilespmem:$0x0]  }
0x30: {  	_ =	swait.ge [sflag:s31], $0x2710  }
0x31: {  	[sflag:s31] =	ssyncset.done $0x0  }
0x32: {  	[sflag:s31] =	ssyncadd.s32 $0xFFFFD8F0  }
0x33: {  	[bflag:$0x0] =	sbarrier.arrive $0xFFFF  }
0x34: {  	[tilespmem:s1], [sflag:$0x1] =	stream.indirect.gather [spmem:s2], $0x80, s3, s0, $0xb8;
	v63 =	vld [tilespmem:$0x0]  }
0x35: {  	_ = 	snop  }
0x36: {  	[tilespmem:s4], [sflag:$0x1] =	stream.indirect.gather [spmem:s2], $0x80, s0, s0, $0xb8;
	v63 =	vld [tilespmem:$0x0]  }
0x37: {  	s25 =	simm.s32 $0x50  }
0x38: {  	[tilespmem:s6], [sflag:$0x1] =	stream.indirect.gather [spmem:s2], $0x80, s25, s0, $0xb8;
	v63 =	vld [tilespmem:$0x0]  }
0x39: {  	_ =	swait.ge [sflag:s7], $0x1400  }
0x3a: {  	[sflag:s7] =	ssyncset.done $0x0  }
0x3b: {  	s23 =	rddreg [dreg:$0x8];
	[sflag:s7] =	ssyncadd.s32 $0xFFFFEC00  }
0x3c: {  	[hbm4b:s23+s3] =	stream.linear.scatter [tilespmem:s1], [sflag:$0x2], $0x1400, $0x38;
	v63 =	vld [tilespmem:$0x0]  }
0x3d: {  	s24 =	simm.s32 $0x78  }
0x3e: {  	[tilespmem:s8], [sflag:$0x1] =	stream.indirect.gather [spmem:s2], $0x80, s24, s0, $0xb8;
	v63 =	vld [tilespmem:$0x0]  }
0x3f: {  	_ =	swait.ge [sflag:s7], $0x1400  }
0x40: {  	[sflag:s7] =	ssyncset.done $0x0  }
0x41: {  	s25 =	rddreg [dreg:$0x9];
	[sflag:s7] =	ssyncadd.s32 $0xFFFFEC00  }
0x42: {  	[hbm4b:s25+s3] =	stream.linear.scatter [tilespmem:s4], [sflag:$0x3], $0x1400, $0x38;
	v63 =	vld [tilespmem:$0x0]  }
0x43: {  	_ =	swait.ge [sflag:s9], $0x1400  }
0x44: {  	[sflag:s9] =	ssyncset.done $0x0  }
0x45: {  	s23 =	simm.s32 $0xA0;
	[sflag:s9] =	ssyncadd.s32 $0xFFFFEC00  }
0x46: {  	[tilespmem:s10], [sflag:$0x1] =	stream.indirect.gather [spmem:s2], $0x80, s23, s0, $0xb8;
	v63 =	vld [tilespmem:$0x0]  }
0x47: {  	_ =	swait.ge [sflag:s7], $0x1400  }
0x48: {  	[sflag:s7] =	ssyncset.done $0x0  }
0x49: {  	s24 =	rddreg [dreg:$0xa];
	[sflag:s7] =	ssyncadd.s32 $0xFFFFEC00  }
0x4a: {  	[hbm4b:s24+s3] =	stream.linear.scatter [tilespmem:s6], [sflag:$0x4], $0x1400, $0x38;
	v63 =	vld [tilespmem:$0x0]  }
0x4b: {  	_ =	swait.ge [sflag:s11], $0x1400  }
0x4c: {  	[sflag:s11] =	ssyncset.done $0x0  }
0x4d: {  	s25 =	simm.s32 $0xC8;
	[sflag:s11] =	ssyncadd.s32 $0xFFFFEC00  }
0x4e: {  	[tilespmem:s12], [sflag:$0x1] =	stream.indirect.gather [spmem:s2], $0x80, s25, s0, $0xb8;
	v63 =	vld [tilespmem:$0x0]  }
0x4f: {  	_ =	swait.ge [sflag:s7], $0x1400  }
0x50: {  	[sflag:s7] =	ssyncset.done $0x0  }
0x51: {  	s23 =	rddreg [dreg:$0xb];
	[sflag:s7] =	ssyncadd.s32 $0xFFFFEC00  }
0x52: {  	[hbm4b:s23+s3] =	stream.linear.scatter [tilespmem:s8], [sflag:$0x5], $0x1400, $0x38;
	v63 =	vld [tilespmem:$0x0]  }
0x53: {  	_ =	swait.ge [sflag:s13], $0x1400  }
0x54: {  	[sflag:s13] =	ssyncset.done $0x0  }
0x55: {  	s24 =	simm.s32 $0xF0;
	[sflag:s13] =	ssyncadd.s32 $0xFFFFEC00  }
0x56: {  	[tilespmem:s14], [sflag:$0x1] =	stream.indirect.gather [spmem:s2], $0x80, s24, s0, $0xb8;
	v63 =	vld [tilespmem:$0x0]  }
0x57: {  	_ =	swait.ge [sflag:s7], $0x1400  }
0x58: {  	[sflag:s7] =	ssyncset.done $0x0  }
0x59: {  	s25 =	rddreg [dreg:$0xc];
	[sflag:s7] =	ssyncadd.s32 $0xFFFFEC00  }
0x5a: {  	[hbm4b:s25+s3] =	stream.linear.scatter [tilespmem:s10], [sflag:$0x6], $0x1400, $0x38;
	v63 =	vld [tilespmem:$0x0]  }
0x5b: {  	_ =	swait.ge [sflag:s15], $0x1400  }
0x5c: {  	[sflag:s15] =	ssyncset.done $0x0  }
0x5d: {  	s23 =	simm.s32 $0x118;
	[sflag:s15] =	ssyncadd.s32 $0xFFFFEC00  }
0x5e: {  	[tilespmem:s16], [sflag:$0x1] =	stream.indirect.gather [spmem:s2], $0x80, s23, s0, $0xb8;
	v63 =	vld [tilespmem:$0x0]  }
0x5f: {  	_ =	swait.ge [sflag:s7], $0x1400  }
0x60: {  	[sflag:s7] =	ssyncset.done $0x0  }
0x61: {  	s24 =	rddreg [dreg:$0xd];
	[sflag:s7] =	ssyncadd.s32 $0xFFFFEC00  }
0x62: {  	[hbm4b:s24+s3] =	stream.linear.scatter [tilespmem:s12], [sflag:$0x7], $0x1400, $0x38;
	v63 =	vld [tilespmem:$0x0]  }
0x63: {  	_ =	swait.ge [sflag:s17], $0x1400  }
0x64: {  	[sflag:s17] =	ssyncset.done $0x0  }
0x65: {  	s25 =	simm.s32 $0x140;
	[sflag:s17] =	ssyncadd.s32 $0xFFFFEC00  }
0x66: {  	[tilespmem:s1], [sflag:$0x1] =	stream.indirect.gather [spmem:s2], $0x80, s25, s0, $0xb8;
	v63 =	vld [tilespmem:$0x0]  }
0x67: {  	_ =	swait.ge [sflag:s7], $0x1400  }
0x68: {  	[sflag:s7] =	ssyncset.done $0x0  }
0x69: {  	s23 =	rddreg [dreg:$0xe];
	[sflag:s7] =	ssyncadd.s32 $0xFFFFEC00  }
0x6a: {  	[hbm4b:s23+s3] =	stream.linear.scatter [tilespmem:s14], [sflag:$0x8], $0x1400, $0x38;
	v63 =	vld [tilespmem:$0x0]  }
0x6b: {  	_ =	swait.ge [sflag:s18], $0x1400  }
0x6c: {  	[sflag:s18] =	ssyncset.done $0x0  }
0x6d: {  	s24 =	simm.s32 $0x168;
	[sflag:s18] =	ssyncadd.s32 $0xFFFFEC00  }
0x6e: {  	[tilespmem:s4], [sflag:$0x1] =	stream.indirect.gather [spmem:s2], $0x80, s24, s0, $0xb8;
	v63 =	vld [tilespmem:$0x0]  }
0x6f: {  	_ =	swait.ge [sflag:s7], $0x1400  }
0x70: {  	[sflag:s7] =	ssyncset.done $0x0  }
0x71: {  	s25 =	rddreg [dreg:$0xf];
	[sflag:s7] =	ssyncadd.s32 $0xFFFFEC00  }
0x72: {  	[hbm4b:s25+s3] =	stream.linear.scatter [tilespmem:s16], [sflag:$0x9], $0x1400, $0x38;
	v63 =	vld [tilespmem:$0x0]  }
0x73: {  	_ =	swait.ge [sflag:s19], $0x1400  }
0x74: {  	[sflag:s19] =	ssyncset.done $0x0  }
0x75: {  	s23 =	simm.s32 $0x190;
	[sflag:s19] =	ssyncadd.s32 $0xFFFFEC00  }
0x76: {  	[tilespmem:s6], [sflag:$0x1] =	stream.indirect.gather [spmem:s2], $0x80, s23, s0, $0xb8;
	v63 =	vld [tilespmem:$0x0]  }
0x77: {  	_ =	swait.ge [sflag:s7], $0x1400  }
0x78: {  	[sflag:s7] =	ssyncset.done $0x0  }
0x79: {  	s24 =	sadd.s32 $0xFFFFEE80, s28;
	[sflag:s7] =	ssyncadd.s32 $0xFFFFEC00  }
0x7a: {  	[hbm4b:s24+s3] =	stream.linear.scatter [tilespmem:s1], [sflag:$0x2], $0x1400, $0x38;
	v63 =	vld [tilespmem:$0x0]  }
0x7b: {  	_ =	swait.ge [sflag:s20], $0x1400  }
0x7c: {  	[sflag:s20] =	ssyncset.done $0x0  }
0x7d: {  	s25 =	simm.s32 $0x1B8;
	[sflag:s20] =	ssyncadd.s32 $0xFFFFEC00  }
0x7e: {  	[tilespmem:s8], [sflag:$0x1] =	stream.indirect.gather [spmem:s2], $0x80, s25, s0, $0xb8;
	v63 =	vld [tilespmem:$0x0]  }
0x7f: {  	_ =	swait.ge [sflag:s7], $0x1400  }
0x80: {  	[sflag:s7] =	ssyncset.done $0x0  }
0x81: {  	s23 =	sadd.s32 $0xFFFFF100, s28;
	[sflag:s7] =	ssyncadd.s32 $0xFFFFEC00  }
0x82: {  	[hbm4b:s23+s3] =	stream.linear.scatter [tilespmem:s4], [sflag:$0x3], $0x1400, $0x38;
	v63 =	vld [tilespmem:$0x0]  }
0x83: {  	_ =	swait.ge [sflag:s9], $0x1400  }
0x84: {  	[sflag:s9] =	ssyncset.done $0x0  }
0x85: {  	s24 =	simm.s32 $0x1E0;
	[sflag:s9] =	ssyncadd.s32 $0xFFFFEC00  }
0x86: {  	[tilespmem:s10], [sflag:$0x1] =	stream.indirect.gather [spmem:s2], $0x80, s24, s0, $0xb8;
	v63 =	vld [tilespmem:$0x0]  }
0x87: {  	_ =	swait.ge [sflag:s7], $0x1400  }
0x88: {  	[sflag:s7] =	ssyncset.done $0x0  }
0x89: {  	s25 =	sadd.s32 $0xFFFFF380, s28;
	[sflag:s7] =	ssyncadd.s32 $0xFFFFEC00  }
0x8a: {  	[hbm4b:s25+s3] =	stream.linear.scatter [tilespmem:s6], [sflag:$0x4], $0x1400, $0x38;
	v63 =	vld [tilespmem:$0x0]  }
0x8b: {  	_ =	swait.ge [sflag:s11], $0x1400  }
0x8c: {  	[sflag:s11] =	ssyncset.done $0x0  }
0x8d: {  	s23 =	simm.s32 $0x208;
	[sflag:s11] =	ssyncadd.s32 $0xFFFFEC00  }
0x8e: {  	[tilespmem:s12], [sflag:$0x1] =	stream.indirect.gather [spmem:s2], $0x80, s23, s0, $0xb8;
	v63 =	vld [tilespmem:$0x0]  }
0x8f: {  	_ =	swait.ge [sflag:s7], $0x1400  }
0x90: {  	[sflag:s7] =	ssyncset.done $0x0  }
0x91: {  	s24 =	sadd.s32 $0xFFFFF600, s28;
	[sflag:s7] =	ssyncadd.s32 $0xFFFFEC00  }
0x92: {  	[hbm4b:s24+s3] =	stream.linear.scatter [tilespmem:s8], [sflag:$0x5], $0x1400, $0x38;
	v63 =	vld [tilespmem:$0x0]  }
0x93: {  	_ =	swait.ge [sflag:s13], $0x1400  }
0x94: {  	[sflag:s13] =	ssyncset.done $0x0  }
0x95: {  	s25 =	simm.s32 $0x230;
	[sflag:s13] =	ssyncadd.s32 $0xFFFFEC00  }
0x96: {  	[tilespmem:s14], [sflag:$0x1] =	stream.indirect.gather [spmem:s2], $0x80, s25, s0, $0xb8;
	v63 =	vld [tilespmem:$0x0]  }
0x97: {  	_ =	swait.ge [sflag:s7], $0x1400  }
0x98: {  	[sflag:s7] =	ssyncset.done $0x0  }
0x99: {  	s23 =	sadd.s32 $0xFFFFF880, s28;
	[sflag:s7] =	ssyncadd.s32 $0xFFFFEC00  }
0x9a: {  	[hbm4b:s23+s3] =	stream.linear.scatter [tilespmem:s10], [sflag:$0x6], $0x1400, $0x38;
	v63 =	vld [tilespmem:$0x0]  }
0x9b: {  	_ =	swait.ge [sflag:s15], $0x1400  }
0x9c: {  	[sflag:s15] =	ssyncset.done $0x0  }
0x9d: {  	s24 =	simm.s32 $0x258;
	[sflag:s15] =	ssyncadd.s32 $0xFFFFEC00  }
0x9e: {  	[tilespmem:s16], [sflag:$0x1] =	stream.indirect.gather [spmem:s2], $0x80, s24, s0, $0xb8;
	v63 =	vld [tilespmem:$0x0]  }
0x9f: {  	_ =	swait.ge [sflag:s7], $0x1400  }
0xa0: {  	[sflag:s7] =	ssyncset.done $0x0  }
0xa1: {  	s25 =	sadd.s32 $0xFFFFFB00, s28;
	[sflag:s7] =	ssyncadd.s32 $0xFFFFEC00  }
0xa2: {  	[hbm4b:s25+s3] =	stream.linear.scatter [tilespmem:s12], [sflag:$0x7], $0x1400, $0x38;
	v63 =	vld [tilespmem:$0x0]  }
0xa3: {  	_ =	swait.ge [sflag:s17], $0x1400  }
0xa4: {  	[sflag:s17] =	ssyncset.done $0x0  }
0xa5: {  	s23 =	simm.s32 $0x280;
	[sflag:s17] =	ssyncadd.s32 $0xFFFFEC00  }
0xa6: {  	[tilespmem:s1], [sflag:$0x1] =	stream.indirect.gather [spmem:s2], $0x80, s23, s0, $0xb8;
	v63 =	vld [tilespmem:$0x0]  }
0xa7: {  	_ =	swait.ge [sflag:s7], $0x1400  }
0xa8: {  	[sflag:s7] =	ssyncset.done $0x0  }
0xa9: {  	s24 =	sadd.s32 $0xFFFFFD80, s28;
	[sflag:s7] =	ssyncadd.s32 $0xFFFFEC00  }
0xaa: {  	[hbm4b:s24+s3] =	stream.linear.scatter [tilespmem:s14], [sflag:$0x8], $0x1400, $0x38;
	v63 =	vld [tilespmem:$0x0]  }
0xab: {  	_ =	swait.ge [sflag:s18], $0x1400  }
0xac: {  	[sflag:s18] =	ssyncset.done $0x0  }
0xad: {  	s25 =	simm.s32 $0x2A8;
	[sflag:s18] =	ssyncadd.s32 $0xFFFFEC00  }
0xae: {  	[tilespmem:s4], [sflag:$0x1] =	stream.indirect.gather [spmem:s2], $0x80, s25, s0, $0xb8;
	v63 =	vld [tilespmem:$0x0]  }
0xaf: {  	_ =	swait.ge [sflag:s7], $0x1400  }
0xb0: {  	[sflag:s7] =	ssyncset.done $0x0  }
0xb1: {  	[sflag:s7] =	ssyncadd.s32 $0xFFFFEC00  }
0xb2: {  	[hbm4b:s28+s3] =	stream.linear.scatter [tilespmem:s16], [sflag:$0x9], $0x1400, $0x38;
	v63 =	vld [tilespmem:$0x0]  }
0xb3: {  	_ =	swait.ge [sflag:s19], $0x1400  }
0xb4: {  	s22 =	simm.s32 $0x500;
	[sflag:s19] =	ssyncset.done $0x0  }
0xb5: {  	s23 =	sadd.s32 $0x1400, s28;
	s24 =	simm.s32 $0x2D0;
	[sflag:s19] =	ssyncadd.s32 $0xFFFFEC00  }
.LBB2_2:
0xb6: {  	[tilespmem:s6], [sflag:$0x1] =	stream.indirect.gather [spmem:s2], $0x80, s24, s0, $0xb8;
	v63 =	vld [tilespmem:$0x0]  }
0xb7: {  	s24 =	smov.u32 s22  }
0xb8: {  	p1 =	sne.s32 s22, $0x8C00;
	s22 =	sadd.s32 $0x500, s22;
	_ =	swait.ge [sflag:s7], $0x1400  }
0xb9: {  	[sflag:s7] =	ssyncset.done $0x0  }
0xba: {  	s25 =	sadd.s32 $0xFFFFEE80, s23;
	[sflag:s7] =	ssyncadd.s32 $0xFFFFEC00  }
0xbb: {  	[hbm4b:s25+s3] =	stream.linear.scatter [tilespmem:s1], [sflag:$0x2], $0x1400, $0x38;
	v63 =	vld [tilespmem:$0x0]  }
0xbc: {  	_ =	swait.ge [sflag:s20], $0x1400  }
0xbd: {  	s24 =	sshra.s32 s24, $0x2;
	[sflag:s20] =	ssyncset.done $0x0  }
0xbe: {  	s25 =	sadd.s32 $0x1B8, s24;
	[sflag:s20] =	ssyncadd.s32 $0xFFFFEC00  }
0xbf: {  	[tilespmem:s8], [sflag:$0x1] =	stream.indirect.gather [spmem:s2], $0x80, s25, s0, $0xb8;
	v63 =	vld [tilespmem:$0x0]  }
0xc0: {  	_ =	swait.ge [sflag:s7], $0x1400  }
0xc1: {  	[sflag:s7] =	ssyncset.done $0x0  }
0xc2: {  	s25 =	sadd.s32 $0xFFFFF100, s23;
	[sflag:s7] =	ssyncadd.s32 $0xFFFFEC00  }
0xc3: {  	[hbm4b:s25+s3] =	stream.linear.scatter [tilespmem:s4], [sflag:$0x3], $0x1400, $0x38;
	v63 =	vld [tilespmem:$0x0]  }
0xc4: {  	_ =	swait.ge [sflag:s9], $0x1400  }
0xc5: {  	[sflag:s9] =	ssyncset.done $0x0  }
0xc6: {  	s25 =	sadd.s32 $0x1E0, s24;
	[sflag:s9] =	ssyncadd.s32 $0xFFFFEC00  }
0xc7: {  	[tilespmem:s10], [sflag:$0x1] =	stream.indirect.gather [spmem:s2], $0x80, s25, s0, $0xb8;
	v63 =	vld [tilespmem:$0x0]  }
0xc8: {  	_ =	swait.ge [sflag:s7], $0x1400  }
0xc9: {  	[sflag:s7] =	ssyncset.done $0x0  }
0xca: {  	s25 =	sadd.s32 $0xFFFFF380, s23;
	[sflag:s7] =	ssyncadd.s32 $0xFFFFEC00  }
0xcb: {  	[hbm4b:s25+s3] =	stream.linear.scatter [tilespmem:s6], [sflag:$0x4], $0x1400, $0x38;
	v63 =	vld [tilespmem:$0x0]  }
0xcc: {  	_ =	swait.ge [sflag:s11], $0x1400  }
0xcd: {  	[sflag:s11] =	ssyncset.done $0x0  }
0xce: {  	s25 =	sadd.s32 $0x208, s24;
	[sflag:s11] =	ssyncadd.s32 $0xFFFFEC00  }
0xcf: {  	[tilespmem:s12], [sflag:$0x1] =	stream.indirect.gather [spmem:s2], $0x80, s25, s0, $0xb8;
	v63 =	vld [tilespmem:$0x0]  }
0xd0: {  	_ =	swait.ge [sflag:s7], $0x1400  }
0xd1: {  	[sflag:s7] =	ssyncset.done $0x0  }
0xd2: {  	s25 =	sadd.s32 $0xFFFFF600, s23;
	[sflag:s7] =	ssyncadd.s32 $0xFFFFEC00  }
0xd3: {  	[hbm4b:s25+s3] =	stream.linear.scatter [tilespmem:s8], [sflag:$0x5], $0x1400, $0x38;
	v63 =	vld [tilespmem:$0x0]  }
0xd4: {  	_ =	swait.ge [sflag:s13], $0x1400  }
0xd5: {  	[sflag:s13] =	ssyncset.done $0x0  }
0xd6: {  	s25 =	sadd.s32 $0x230, s24;
	[sflag:s13] =	ssyncadd.s32 $0xFFFFEC00  }
0xd7: {  	[tilespmem:s14], [sflag:$0x1] =	stream.indirect.gather [spmem:s2], $0x80, s25, s0, $0xb8;
	v63 =	vld [tilespmem:$0x0]  }
0xd8: {  	_ =	swait.ge [sflag:s7], $0x1400  }
0xd9: {  	[sflag:s7] =	ssyncset.done $0x0  }
0xda: {  	s25 =	sadd.s32 $0xFFFFF880, s23;
	[sflag:s7] =	ssyncadd.s32 $0xFFFFEC00  }
0xdb: {  	[hbm4b:s25+s3] =	stream.linear.scatter [tilespmem:s10], [sflag:$0x6], $0x1400, $0x38;
	v63 =	vld [tilespmem:$0x0]  }
0xdc: {  	_ =	swait.ge [sflag:s15], $0x1400  }
0xdd: {  	[sflag:s15] =	ssyncset.done $0x0  }
0xde: {  	s25 =	sadd.s32 $0x258, s24;
	[sflag:s15] =	ssyncadd.s32 $0xFFFFEC00  }
0xdf: {  	[tilespmem:s16], [sflag:$0x1] =	stream.indirect.gather [spmem:s2], $0x80, s25, s0, $0xb8;
	v63 =	vld [tilespmem:$0x0]  }
0xe0: {  	_ =	swait.ge [sflag:s7], $0x1400  }
0xe1: {  	[sflag:s7] =	ssyncset.done $0x0  }
0xe2: {  	s25 =	sadd.s32 $0xFFFFFB00, s23;
	[sflag:s7] =	ssyncadd.s32 $0xFFFFEC00  }
0xe3: {  	[hbm4b:s25+s3] =	stream.linear.scatter [tilespmem:s12], [sflag:$0x7], $0x1400, $0x38;
	v63 =	vld [tilespmem:$0x0]  }
0xe4: {  	_ =	swait.ge [sflag:s17], $0x1400  }
0xe5: {  	[sflag:s17] =	ssyncset.done $0x0  }
0xe6: {  	s25 =	sadd.s32 $0x280, s24;
	[sflag:s17] =	ssyncadd.s32 $0xFFFFEC00  }
0xe7: {  	[tilespmem:s1], [sflag:$0x1] =	stream.indirect.gather [spmem:s2], $0x80, s25, s0, $0xb8;
	v63 =	vld [tilespmem:$0x0]  }
0xe8: {  	_ =	swait.ge [sflag:s7], $0x1400  }
0xe9: {  	[sflag:s7] =	ssyncset.done $0x0  }
0xea: {  	s25 =	sadd.s32 $0xFFFFFD80, s23;
	[sflag:s7] =	ssyncadd.s32 $0xFFFFEC00  }
0xeb: {  	[hbm4b:s25+s3] =	stream.linear.scatter [tilespmem:s14], [sflag:$0x8], $0x1400, $0x38;
	v63 =	vld [tilespmem:$0x0]  }
0xec: {  	_ =	swait.ge [sflag:s18], $0x1400  }
0xed: {  	[sflag:s18] =	ssyncset.done $0x0  }
0xee: {  	s25 =	sadd.s32 $0x2A8, s24;
	[sflag:s18] =	ssyncadd.s32 $0xFFFFEC00  }
0xef: {  	[tilespmem:s4], [sflag:$0x1] =	stream.indirect.gather [spmem:s2], $0x80, s25, s0, $0xb8;
	v63 =	vld [tilespmem:$0x0]  }
0xf0: {  	_ =	swait.ge [sflag:s7], $0x1400  }
0xf1: {  	[sflag:s7] =	ssyncset.done $0x0  }
.Ltmp0:
0xf2: {  	[sflag:s7] =	ssyncadd.s32 $0xFFFFEC00;
	(pc) =	sbr.rel @p1 .LBB2_2-.Ltmp0, $4  }
0xf3: {  	[hbm4b:s23+s3] =	stream.linear.scatter [tilespmem:s16], [sflag:$0x9], $0x1400, $0x38;
	v63 =	vld [tilespmem:$0x0]  }
0xf4: {  	_ =	swait.ge [sflag:s19], $0x1400  }
0xf5: {  	[sflag:s19] =	ssyncset.done $0x0  }
0xf6: {  	s24 =	sadd.s32 $0x2D0, s24;
	s23 =	sadd.s32 $0x1400, s23;
	[sflag:s19] =	ssyncadd.s32 $0xFFFFEC00  }
0xf7: {  	[tilespmem:s6], [sflag:$0x1] =	stream.indirect.gather [spmem:s2], $0x80, s24, s0, $0xb8;
	v63 =	vld [tilespmem:$0x0]  }
0xf8: {  	_ =	swait.ge [sflag:s7], $0x1400  }
0xf9: {  	[sflag:s7] =	ssyncset.done $0x0  }
0xfa: {  	s22 =	rddreg [dreg:$0x10];
	[sflag:s7] =	ssyncadd.s32 $0xFFFFEC00  }
0xfb: {  	[hbm4b:s22+s3] =	stream.linear.scatter [tilespmem:s1], [sflag:$0x2], $0x1400, $0x38;
	v63 =	vld [tilespmem:$0x0]  }
0xfc: {  	_ =	swait.ge [sflag:s20], $0x1400  }
0xfd: {  	[sflag:s20] =	ssyncset.done $0x0  }
0xfe: {  	s25 =	simm.s32 $0x25F8;
	[sflag:s20] =	ssyncadd.s32 $0xFFFFEC00  }
0xff: {  	[tilespmem:s8], [sflag:$0x1] =	stream.indirect.gather [spmem:s2], $0x80, s25, s0, $0xb8;
	v63 =	vld [tilespmem:$0x0]  }
0x100: {  	_ =	swait.ge [sflag:s7], $0x1400  }
0x101: {  	[sflag:s7] =	ssyncset.done $0x0  }
0x102: {  	s23 =	rddreg [dreg:$0x11];
	[sflag:s7] =	ssyncadd.s32 $0xFFFFEC00  }
0x103: {  	[hbm4b:s23+s3] =	stream.linear.scatter [tilespmem:s4], [sflag:$0x3], $0x1400, $0x38;
	v63 =	vld [tilespmem:$0x0]  }
0x104: {  	_ =	swait.ge [sflag:s9], $0x1400  }
0x105: {  	[sflag:s9] =	ssyncset.done $0x0  }
0x106: {  	s24 =	simm.s32 $0x2620;
	[sflag:s9] =	ssyncadd.s32 $0xFFFFEC00  }
0x107: {  	[tilespmem:s10], [sflag:$0x1] =	stream.indirect.gather [spmem:s2], $0x80, s24, s0, $0xb8;
	v63 =	vld [tilespmem:$0x0]  }
0x108: {  	_ =	swait.ge [sflag:s7], $0x1400  }
0x109: {  	[sflag:s7] =	ssyncset.done $0x0  }
0x10a: {  	s25 =	rddreg [dreg:$0x12];
	[sflag:s7] =	ssyncadd.s32 $0xFFFFEC00  }
0x10b: {  	[hbm4b:s25+s3] =	stream.linear.scatter [tilespmem:s6], [sflag:$0x4], $0x1400, $0x38;
	v63 =	vld [tilespmem:$0x0]  }
0x10c: {  	_ =	swait.ge [sflag:s11], $0x1400  }
0x10d: {  	[sflag:s11] =	ssyncset.done $0x0  }
0x10e: {  	s23 =	simm.s32 $0x2648;
	[sflag:s11] =	ssyncadd.s32 $0xFFFFEC00  }
0x10f: {  	[tilespmem:s12], [sflag:$0x1] =	stream.indirect.gather [spmem:s2], $0x80, s23, s0, $0xb8;
	v63 =	vld [tilespmem:$0x0]  }
0x110: {  	_ =	swait.ge [sflag:s7], $0x1400  }
0x111: {  	[sflag:s7] =	ssyncset.done $0x0  }
0x112: {  	s24 =	rddreg [dreg:$0x13];
	[sflag:s7] =	ssyncadd.s32 $0xFFFFEC00  }
0x113: {  	[hbm4b:s24+s3] =	stream.linear.scatter [tilespmem:s8], [sflag:$0x5], $0x1400, $0x38;
	v63 =	vld [tilespmem:$0x0]  }
0x114: {  	_ =	swait.ge [sflag:s13], $0x1400  }
0x115: {  	[sflag:s13] =	ssyncset.done $0x0  }
0x116: {  	s25 =	simm.s32 $0x2670;
	[sflag:s13] =	ssyncadd.s32 $0xFFFFEC00  }
0x117: {  	[tilespmem:s14], [sflag:$0x1] =	stream.indirect.gather [spmem:s2], $0x80, s25, s0, $0xb8;
	v63 =	vld [tilespmem:$0x0]  }
0x118: {  	_ =	swait.ge [sflag:s7], $0x1400  }
0x119: {  	[sflag:s7] =	ssyncset.done $0x0  }
0x11a: {  	s23 =	rddreg [dreg:$0x14];
	[sflag:s7] =	ssyncadd.s32 $0xFFFFEC00  }
0x11b: {  	[hbm4b:s23+s3] =	stream.linear.scatter [tilespmem:s10], [sflag:$0x6], $0x1400, $0x38;
	v63 =	vld [tilespmem:$0x0]  }
0x11c: {  	_ =	swait.ge [sflag:s15], $0x1400  }
0x11d: {  	[sflag:s15] =	ssyncset.done $0x0  }
0x11e: {  	s24 =	simm.s32 $0x2698;
	[sflag:s15] =	ssyncadd.s32 $0xFFFFEC00  }
0x11f: {  	[tilespmem:s16], [sflag:$0x1] =	stream.indirect.gather [spmem:s2], $0x80, s24, s0, $0xb8;
	v63 =	vld [tilespmem:$0x0]  }
0x120: {  	_ =	swait.ge [sflag:s7], $0x1400  }
0x121: {  	[sflag:s7] =	ssyncset.done $0x0  }
0x122: {  	s25 =	rddreg [dreg:$0x15];
	[sflag:s7] =	ssyncadd.s32 $0xFFFFEC00  }
0x123: {  	[hbm4b:s25+s3] =	stream.linear.scatter [tilespmem:s12], [sflag:$0x7], $0x1400, $0x38;
	v63 =	vld [tilespmem:$0x0]  }
0x124: {  	_ =	swait.ge [sflag:s17], $0x1400  }
0x125: {  	[sflag:s17] =	ssyncset.done $0x0  }
0x126: {  	s23 =	simm.s32 $0x26C0;
	[sflag:s17] =	ssyncadd.s32 $0xFFFFEC00  }
0x127: {  	[tilespmem:s1], [sflag:$0x1] =	stream.indirect.gather [spmem:s2], $0x80, s23, s0, $0xb8;
	v63 =	vld [tilespmem:$0x0]  }
0x128: {  	_ =	swait.ge [sflag:s7], $0x1400  }
0x129: {  	[sflag:s7] =	ssyncset.done $0x0  }
0x12a: {  	s24 =	rddreg [dreg:$0x16];
	[sflag:s7] =	ssyncadd.s32 $0xFFFFEC00  }
0x12b: {  	[hbm4b:s24+s3] =	stream.linear.scatter [tilespmem:s14], [sflag:$0x8], $0x1400, $0x38;
	v63 =	vld [tilespmem:$0x0]  }
0x12c: {  	_ =	swait.ge [sflag:s18], $0x1400  }
0x12d: {  	[sflag:s18] =	ssyncset.done $0x0  }
0x12e: {  	s25 =	simm.s32 $0x26E8;
	[sflag:s18] =	ssyncadd.s32 $0xFFFFEC00  }
0x12f: {  	[tilespmem:s4], [sflag:$0x1] =	stream.indirect.gather [spmem:s2], $0x80, s25, s0, $0xb8;
	v63 =	vld [tilespmem:$0x0]  }
0x130: {  	_ =	swait.ge [sflag:s7], $0x1400  }
0x131: {  	[sflag:s7] =	ssyncset.done $0x0  }
0x132: {  	s23 =	rddreg [dreg:$0x17];
	[sflag:s7] =	ssyncadd.s32 $0xFFFFEC00  }
0x133: {  	[hbm4b:s23+s3] =	stream.linear.scatter [tilespmem:s16], [sflag:$0x9], $0x1400, $0x38;
	v63 =	vld [tilespmem:$0x0]  }
0x134: {  	_ =	swait.ge [sflag:s19], $0x1400  }
0x135: {  	[sflag:s19] =	ssyncset.done $0x0  }
0x136: {  	[sflag:s19] =	ssyncadd.s32 $0xFFFFEC00  }
0x137: {  	_ =	swait.ge [sflag:s7], $0x1400  }
0x138: {  	[sflag:s7] =	ssyncset.done $0x0  }
0x139: {  	s24 =	rddreg [dreg:$0x18];
	[sflag:s7] =	ssyncadd.s32 $0xFFFFEC00  }
0x13a: {  	[hbm4b:s24+s3] =	stream.linear.scatter [tilespmem:s1], [sflag:$0x2], $0x1400, $0x38;
	v63 =	vld [tilespmem:$0x0]  }
0x13b: {  	_ =	swait.ge [sflag:s20], $0x1400  }
0x13c: {  	[sflag:s20] =	ssyncset.done $0x0  }
0x13d: {  	[sflag:s20] =	ssyncadd.s32 $0xFFFFEC00  }
0x13e: {  	_ =	swait.ge [sflag:s7], $0x1400  }
0x13f: {  	[sflag:s7] =	ssyncset.done $0x0  }
0x140: {  	s21 =	sadd.s32 $0x1, s21;
	s25 =	rddreg [dreg:$0x19];
	[sflag:s7] =	ssyncadd.s32 $0xFFFFEC00  }
0x141: {  	[hbm4b:s25+s3] =	stream.linear.scatter [tilespmem:s4], [sflag:$0x3], $0x1400, $0x38;
	v63 =	vld [tilespmem:$0x0]  }
0x142: {  	p1 =	sne.s32 s21, s26;
	_ =	swait.ge [sflag:s9], $0x1400  }
.Ltmp1:
0x143: {  	[sflag:s9] =	ssyncset.done $0x0;
	(pc) =	sbr.rel @p1 .LBB2_1-.Ltmp1, $4  }
0x144: {  	[sflag:s9] =	ssyncadd.s32 $0xFFFFEC00  }
0x145: {  	_ =	swait.ge [sflag:s11], $0x1400  }
0x146: {  	[sflag:s11] =	ssyncset.done $0x0  }
0x147: {  	[sflag:s11] =	ssyncadd.s32 $0xFFFFEC00  }
0x148: {  	_ =	sfence.sel $0x180000  }
0x149: {  	[bflag:$0x0] =	sbarrier.arrive $0xFFFF  }
0x14a: {  	_ =	strace $0x90000047  }
0x14b: {  	s0 =	stileid.u32;
	[bflag:$0x2] =	sbarrier.arrive $0xFFFF  }
0x14c: {  	p0 =	sne.s32 s0, $0x0;
	s0 =	rddreg [dreg:$0x4]  }
0x14d: {  	s0 =	sadd.s32 @!p0 $0x100000, s0  }
0x14e: {  	[sflag:s0] =	ssyncadd.tile.s32 @!p0 $0x1;
	_ =	shalt  }
.Lfunc_end2:
_tile_overlayer_lowered:
.L_overlay_start_2:
0x14f: {  	(tag) =	ssettag $0x2  }
0x150: {  	s0 =	rddreg [dreg:$0x0];
	s2 =	stileid.u32  }
0x151: {  	s1 =	rddreg [dreg:$0x1];
	p0 =	sne.s32 s2, $0x0  }
0x152: {  	s3 =	rddreg [dreg:$0x2];
	[bflag:$0x3] =	sbarrier.arrive $0xFFFF;
	s2 =	simm.s32 @!p0 $0x1C0A  }
0x153: {  	[timem:s3], [sflag:s2] =	dma.local @!p0 [hbm:s0], s1  }
0x154: {  	s0 =	simm.s32 @!p0 $0xA  }
0x155: {  	_ =	swait.ge @!p0 [sflag:s0], s1  }
0x156: {  	s1 =	ssub.s32 @!p0 $0x0, s1;
	[sflag:s0] =	ssyncset.done @!p0 $0x0  }
0x157: {  	[sflag:s0] =	ssyncadd.s32 @!p0 s1  }
0x158: {  	[bflag:$0x3] =	sbarrier.arrive $0xFFFF  }
0x159: {  	_ =	shalt  }

</sc_bundles>
